<compile_context>
chip_gen: v7x
topology: tpu7x:2x2x1
jax: 0.10.2.dev20260603
libtpu: 0.0.44.dev20260713+nightly
codegen_flags: <defaults>
</compile_context>

<pallas_src>
import functools

import jax
import jax.numpy as jnp
from jax import lax
from jax.experimental import pallas as pl
from jax.experimental.pallas import tpu as pltpu
from jax.experimental.pallas import tpu_sc as plsc

D = 64
B = 4096
L = 50
NW = 32
BAGS_PER_WORKER = B // NW
BAGS_PER_CHUNK = 16
CHUNKS = BAGS_PER_WORKER // BAGS_PER_CHUNK
ROWS_PER_CHUNK = BAGS_PER_CHUNK * L
GATHER_SPLIT = 8
ROWS_PER_GATHER = ROWS_PER_CHUNK // GATHER_SPLIT


def _sc_body(x_hbm, w_hbm, tbl_hbm, out_hbm, idx_v, rows_v, w_v, out_v, sem):
    wid = lax.axis_index("s") * 2 + lax.axis_index("c")
    iota = lax.iota(jnp.int32, 16)

    def chunk_body(it, carry):
        bag_base = wid * BAGS_PER_WORKER + it * BAGS_PER_CHUNK
        xrow = wid * (BAGS_PER_WORKER * L // ROWS_PER_GATHER) + it * GATHER_SPLIT
        pltpu.sync_copy(x_hbm.at[pl.ds(xrow, GATHER_SPLIT)], idx_v)
        copies = [
            pltpu.async_copy(
                tbl_hbm.at[idx_v.at[j]],
                rows_v.at[pl.ds(j * ROWS_PER_GATHER, ROWS_PER_GATHER)],
                sem,
            )
            for j in range(GATHER_SPLIT)
        ]
        pltpu.sync_copy(w_hbm.at[pl.ds(bag_base * L, ROWS_PER_CHUNK)], w_v)
        for c in copies:
            c.wait()

        for p in range(D // 16):
            def l_body(l, accs):
                base = iota * L + l
                wval = plsc.load_gather(w_v, [base])
                out = []
                for j in range(16):
                    dvec = jnp.full((16,), p * 16 + j, jnp.int32)
                    val = plsc.load_gather(rows_v, [base, dvec])
                    out.append(accs[j] + wval * val)
                return tuple(out)

            accs = lax.fori_loop(
                0, L, l_body,
                tuple(jnp.zeros((16,), jnp.float32) for _ in range(16)),
            )
            for j in range(16):
                dvec = jnp.full((16,), p * 16 + j, jnp.int32)
                plsc.store_scatter(out_v, [iota, dvec], accs[j])

        pltpu.sync_copy(out_v, out_hbm.at[pl.ds(bag_base, BAGS_PER_CHUNK)])
        return carry

    lax.fori_loop(0, CHUNKS, chunk_body, 0)


_sc_call = functools.partial(
    pl.kernel,
    out_type=jax.ShapeDtypeStruct((B, D), jnp.float32),
    mesh=plsc.VectorSubcoreMesh(core_axis_name="c", subcore_axis_name="s"),
    compiler_params=pltpu.CompilerParams(
        needs_layout_passes=False, use_tc_tiling_on_sc=False
    ),
    scratch_types=[
        pltpu.VMEM((GATHER_SPLIT, ROWS_PER_GATHER), jnp.int32),
        pltpu.VMEM((ROWS_PER_CHUNK, D), jnp.float32),
        pltpu.VMEM((ROWS_PER_CHUNK,), jnp.float32),
        pltpu.VMEM((BAGS_PER_CHUNK, D), jnp.float32),
        pltpu.SemaphoreType.DMA,
    ],
)(_sc_body)


def kernel(x, w, weight):
    x2 = x.astype(jnp.int32).reshape(B * L // ROWS_PER_GATHER, ROWS_PER_GATHER)
    return _sc_call(x2, w.reshape(B * L), weight)

# --- scband reference (transcript-rebuilt; emitter-appended) ---
"""Pipeline reference for scband-sparse-linear-32779190403590 (READ-ONLY COPY).

The authoritative reference and input builder live on the scoring server;
editing this copy changes nothing except your own understanding.
"""

import jax, jax.numpy as jnp
import numpy as np

NUM_FEATURES = 1000000
NUM_CLASSES = 64
B, L = 4096, 50

def setup_inputs(seed: int = 0) -> dict:
    key = jax.random.key(seed)
    k1, k2, k3 = jax.random.split(key, 3)
    x = jax.random.randint(k1, (B, L), 0, NUM_FEATURES)
    w = jax.random.normal(k2, (B, L), dtype=jnp.float32)
    stdv = 1.0 / np.sqrt(NUM_FEATURES)
    weight = jax.random.uniform(k3, (NUM_FEATURES, NUM_CLASSES), minval=-stdv, maxval=stdv, dtype=jnp.float32)
    # padding_idx row zeroed, matching reset_parameters
    weight = weight.at[0].set(0.0)
    return {"x": x, "w": w, "weight": weight}

def reference(x, w, weight):
    # SparseLinear.forward with bias=None:
    # (w.unsqueeze(2) * self.weight(x)).sum(dim=1)
    emb = jnp.take(weight, x, axis=0)          # [B, L, num_classes] gather
    out = (w[:, :, None] * emb).sum(axis=1)    # [B, num_classes]
    return out

if __name__ == "__main__":
    import jax
    _d = setup_inputs()
    print(jax.jit(kernel)(*tuple(_d.values())))

</pallas_src>

<mosaic_0001>
#map = affine_map<(d0, d1) -> (0, 0)>
#map1 = affine_map<(d0, d1) -> (0)>
module attributes {stable_mosaic.version = 14 : i64} {
  func.func @_sc_body(%arg0: i32, %arg1: i32, %arg2: memref<2048x100xi32, #tpu.memory_space<hbm>>, %arg3: memref<204800xf32, #tpu.memory_space<hbm>>, %arg4: memref<1000000x64xf32, #tpu.memory_space<hbm>>, %arg5: memref<4096x64xf32, #tpu.memory_space<hbm>>, %arg6: memref<8x100xi32, #tpu.memory_space<vmem>>, %arg7: memref<800x64xf32, #tpu.memory_space<vmem>>, %arg8: memref<800xf32, #tpu.memory_space<vmem>>, %arg9: memref<16x64xf32, #tpu.memory_space<vmem>>, %arg10: memref<!tpu.dma_semaphore, #tpu.memory_space<semaphore_mem>>) attributes {dimension_semantics = [#tpu.dimension_semantics<core_parallel>, #tpu.dimension_semantics<subcore_parallel>], iteration_bounds = array<i64: 2, 16>, scalar_prefetch = 0 : i64, scratch_operands = 5 : i64, tpu.core_type = #tpu.core_type<sc_vector_subcore>, window_params = [{transform_indices = #map}, {transform_indices = #map1}, {transform_indices = #map}, {transform_indices = #map}]} {
    %mul3A = arith.constant 2 : i32
    %mul3A_0 = arith.muli %arg1, %mul3A : i32
    %add3A = arith.addi %mul3A_0, %arg0 : i32
    %iota3A = tpu.iota {dimensions = array<i32: 0>} : vector<16xi32>
    %scan3A = arith.constant 0 : i32
    %scan3A_1 = arith.constant 0 : i32
    %scan3A_2 = arith.constant 8 : i32
    %scan3A_3 = arith.addi %scan3A_1, %scan3A_2 : i32
    %scan3A_4 = arith.constant 1 : i32
    scf.for %scan3A_6 = %scan3A_1 to %scan3A_3 step %scan3A_4  : i32 {
      %mul3A_7 = arith.constant 128 : i32
      %mul3A_8 = arith.muli %add3A, %mul3A_7 : i32
      %mul3A_9 = arith.constant 16 : i32
      %mul3A_10 = arith.muli %scan3A_6, %mul3A_9 : i32
      %add3A_11 = arith.addi %mul3A_8, %mul3A_10 : i32
      %mul3A_12 = arith.constant 64 : i32
      %mul3A_13 = arith.muli %add3A, %mul3A_12 : i32
      %mul3A_14 = arith.constant 8 : i32
      %mul3A_15 = arith.muli %scan3A_6, %mul3A_14 : i32
      %add3A_16 = arith.addi %mul3A_13, %mul3A_15 : i32
      "tpu.region"() ({
        %run_scoped3A = tpu.sem_alloc : memref<!tpu.dma_semaphore, #tpu.memory_space<semaphore_mem>>
        %dma_start3A_456 = arith.constant 0 : i32
        %dma_start3A_457 = tpu.memref_slice %arg2[%add3A_16, %dma_start3A_456] : memref<2048x100xi32, #tpu.memory_space<hbm>> -> memref<8x100xi32, #tpu.memory_space<hbm>>
        %dma_start3A_458 = arith.constant 0 : i32
        %dma_start3A_459 = tpu.memref_slice %arg2[%add3A_16, %dma_start3A_458] : memref<2048x100xi32, #tpu.memory_space<hbm>> -> memref<8x100xi32, #tpu.memory_space<hbm>>
        tpu.enqueue_dma source(%dma_start3A_459 : memref<8x100xi32, #tpu.memory_space<hbm>>) target(%arg6 : memref<8x100xi32, #tpu.memory_space<vmem>>) target_semaphore(%run_scoped3A : memref<!tpu.dma_semaphore, #tpu.memory_space<semaphore_mem>>)
        %dma_wait3A_460 = arith.constant 0 : i32
        %dma_wait3A_461 = tpu.memref_slice %arg2[%add3A_16, %dma_wait3A_460] : memref<2048x100xi32, #tpu.memory_space<hbm>> -> memref<8x100xi32, #tpu.memory_space<hbm>>
        %dma_wait3A_462 = arith.constant 0 : i32
        %dma_wait3A_463 = tpu.memref_slice %arg2[%add3A_16, %dma_wait3A_462] : memref<2048x100xi32, #tpu.memory_space<hbm>> -> memref<8x100xi32, #tpu.memory_space<hbm>>
        tpu.wait_dma2 semaphore(%run_scoped3A : memref<!tpu.dma_semaphore, #tpu.memory_space<semaphore_mem>>) src(%dma_wait3A_463 : memref<8x100xi32, #tpu.memory_space<hbm>>) dst(%arg6 : memref<8x100xi32, #tpu.memory_space<vmem>>)
        tpu.yield
      }) : () -> ()
      %dma_start3A = arith.constant 0 : i32
      %dma_start3A_17 = arith.constant 0 : i32
      %dma_start3A_18 = arith.constant 0 : i32
      %dma_start3A_19 = tpu.memref_slice %arg7[%dma_start3A_17, %dma_start3A_18] : memref<800x64xf32, #tpu.memory_space<vmem>> -> memref<100x64xf32, #tpu.memory_space<vmem>>
      %dma_start3A_20 = arith.constant 0 : i32
      %dma_start3A_21 = tpu.memref_slice %arg6[%dma_start3A, %dma_start3A_20] : memref<8x100xi32, #tpu.memory_space<vmem>> -> memref<1x100xi32, #tpu.memory_space<vmem>>
      %dma_start3A_22 = tpu.memref_squeeze %dma_start3A_21 : memref<1x100xi32, #tpu.memory_space<vmem>> -> memref<100xi32, #tpu.memory_space<vmem>>
      %dma_start3A_23 = arith.constant 0 : i32
      %dma_start3A_24 = arith.constant 0 : i32
      %dma_start3A_25 = tpu.memref_slice %arg4[%dma_start3A_23, %dma_start3A_24] : memref<1000000x64xf32, #tpu.memory_space<hbm>> -> memref<1000000x64xf32, #tpu.memory_space<hbm>>
      tpu.enqueue_indirect_dma source(%dma_start3A_25 : memref<1000000x64xf32, #tpu.memory_space<hbm>>) target(%dma_start3A_19 : memref<100x64xf32, #tpu.memory_space<vmem>>) offsets(%dma_start3A_22 : memref<100xi32, #tpu.memory_space<vmem>>) semaphore(%arg10 : memref<!tpu.dma_semaphore, #tpu.memory_space<semaphore_mem>>)
      %dma_start3A_26 = arith.constant 1 : i32
      %dma_start3A_27 = arith.constant 100 : i32
      %dma_start3A_28 = arith.constant 0 : i32
      %dma_start3A_29 = tpu.memref_slice %arg7[%dma_start3A_27, %dma_start3A_28] : memref<800x64xf32, #tpu.memory_space<vmem>> -> memref<100x64xf32, #tpu.memory_space<vmem>>
      %dma_start3A_30 = arith.constant 0 : i32
      %dma_start3A_31 = tpu.memref_slice %arg6[%dma_start3A_26, %dma_start3A_30] : memref<8x100xi32, #tpu.memory_space<vmem>> -> memref<1x100xi32, #tpu.memory_space<vmem>>
      %dma_start3A_32 = tpu.memref_squeeze %dma_start3A_31 : memref<1x100xi32, #tpu.memory_space<vmem>> -> memref<100xi32, #tpu.memory_space<vmem>>
      %dma_start3A_33 = arith.constant 0 : i32
      %dma_start3A_34 = arith.constant 0 : i32
      %dma_start3A_35 = tpu.memref_slice %arg4[%dma_start3A_33, %dma_start3A_34] : memref<1000000x64xf32, #tpu.memory_space<hbm>> -> memref<1000000x64xf32, #tpu.memory_space<hbm>>
      tpu.enqueue_indirect_dma source(%dma_start3A_35 : memref<1000000x64xf32, #tpu.memory_space<hbm>>) target(%dma_start3A_29 : memref<100x64xf32, #tpu.memory_space<vmem>>) offsets(%dma_start3A_32 : memref<100xi32, #tpu.memory_space<vmem>>) semaphore(%arg10 : memref<!tpu.dma_semaphore, #tpu.memory_space<semaphore_mem>>)
      %dma_start3A_36 = arith.constant 2 : i32
      %dma_start3A_37 = arith.constant 200 : i32
      %dma_start3A_38 = arith.constant 0 : i32
      %dma_start3A_39 = tpu.memref_slice %arg7[%dma_start3A_37, %dma_start3A_38] : memref<800x64xf32, #tpu.memory_space<vmem>> -> memref<100x64xf32, #tpu.memory_space<vmem>>
      %dma_start3A_40 = arith.constant 0 : i32
      %dma_start3A_41 = tpu.memref_slice %arg6[%dma_start3A_36, %dma_start3A_40] : memref<8x100xi32, #tpu.memory_space<vmem>> -> memref<1x100xi32, #tpu.memory_space<vmem>>
      %dma_start3A_42 = tpu.memref_squeeze %dma_start3A_41 : memref<1x100xi32, #tpu.memory_space<vmem>> -> memref<100xi32, #tpu.memory_space<vmem>>
      %dma_start3A_43 = arith.constant 0 : i32
      %dma_start3A_44 = arith.constant 0 : i32
      %dma_start3A_45 = tpu.memref_slice %arg4[%dma_start3A_43, %dma_start3A_44] : memref<1000000x64xf32, #tpu.memory_space<hbm>> -> memref<1000000x64xf32, #tpu.memory_space<hbm>>
      tpu.enqueue_indirect_dma source(%dma_start3A_45 : memref<1000000x64xf32, #tpu.memory_space<hbm>>) target(%dma_start3A_39 : memref<100x64xf32, #tpu.memory_space<vmem>>) offsets(%dma_start3A_42 : memref<100xi32, #tpu.memory_space<vmem>>) semaphore(%arg10 : memref<!tpu.dma_semaphore, #tpu.memory_space<semaphore_mem>>)
      %dma_start3A_46 = arith.constant 3 : i32
      %dma_start3A_47 = arith.constant 300 : i32
      %dma_start3A_48 = arith.constant 0 : i32
      %dma_start3A_49 = tpu.memref_slice %arg7[%dma_start3A_47, %dma_start3A_48] : memref<800x64xf32, #tpu.memory_space<vmem>> -> memref<100x64xf32, #tpu.memory_space<vmem>>
      %dma_start3A_50 = arith.constant 0 : i32
      %dma_start3A_51 = tpu.memref_slice %arg6[%dma_start3A_46, %dma_start3A_50] : memref<8x100xi32, #tpu.memory_space<vmem>> -> memref<1x100xi32, #tpu.memory_space<vmem>>
      %dma_start3A_52 = tpu.memref_squeeze %dma_start3A_51 : memref<1x100xi32, #tpu.memory_space<vmem>> -> memref<100xi32, #tpu.memory_space<vmem>>
      %dma_start3A_53 = arith.constant 0 : i32
      %dma_start3A_54 = arith.constant 0 : i32
      %dma_start3A_55 = tpu.memref_slice %arg4[%dma_start3A_53, %dma_start3A_54] : memref<1000000x64xf32, #tpu.memory_space<hbm>> -> memref<1000000x64xf32, #tpu.memory_space<hbm>>
      tpu.enqueue_indirect_dma source(%dma_start3A_55 : memref<1000000x64xf32, #tpu.memory_space<hbm>>) target(%dma_start3A_49 : memref<100x64xf32, #tpu.memory_space<vmem>>) offsets(%dma_start3A_52 : memref<100xi32, #tpu.memory_space<vmem>>) semaphore(%arg10 : memref<!tpu.dma_semaphore, #tpu.memory_space<semaphore_mem>>)
      %dma_start3A_56 = arith.constant 4 : i32
      %dma_start3A_57 = arith.constant 400 : i32
      %dma_start3A_58 = arith.constant 0 : i32
      %dma_start3A_59 = tpu.memref_slice %arg7[%dma_start3A_57, %dma_start3A_58] : memref<800x64xf32, #tpu.memory_space<vmem>> -> memref<100x64xf32, #tpu.memory_space<vmem>>
      %dma_start3A_60 = arith.constant 0 : i32
      %dma_start3A_61 = tpu.memref_slice %arg6[%dma_start3A_56, %dma_start3A_60] : memref<8x100xi32, #tpu.memory_space<vmem>> -> memref<1x100xi32, #tpu.memory_space<vmem>>
      %dma_start3A_62 = tpu.memref_squeeze %dma_start3A_61 : memref<1x100xi32, #tpu.memory_space<vmem>> -> memref<100xi32, #tpu.memory_space<vmem>>
      %dma_start3A_63 = arith.constant 0 : i32
      %dma_start3A_64 = arith.constant 0 : i32
      %dma_start3A_65 = tpu.memref_slice %arg4[%dma_start3A_63, %dma_start3A_64] : memref<1000000x64xf32, #tpu.memory_space<hbm>> -> memref<1000000x64xf32, #tpu.memory_space<hbm>>
      tpu.enqueue_indirect_dma source(%dma_start3A_65 : memref<1000000x64xf32, #tpu.memory_space<hbm>>) target(%dma_start3A_59 : memref<100x64xf32, #tpu.memory_space<vmem>>) offsets(%dma_start3A_62 : memref<100xi32, #tpu.memory_space<vmem>>) semaphore(%arg10 : memref<!tpu.dma_semaphore, #tpu.memory_space<semaphore_mem>>)
      %dma_start3A_66 = arith.constant 5 : i32
      %dma_start3A_67 = arith.constant 500 : i32
      %dma_start3A_68 = arith.constant 0 : i32
      %dma_start3A_69 = tpu.memref_slice %arg7[%dma_start3A_67, %dma_start3A_68] : memref<800x64xf32, #tpu.memory_space<vmem>> -> memref<100x64xf32, #tpu.memory_space<vmem>>
      %dma_start3A_70 = arith.constant 0 : i32
      %dma_start3A_71 = tpu.memref_slice %arg6[%dma_start3A_66, %dma_start3A_70] : memref<8x100xi32, #tpu.memory_space<vmem>> -> memref<1x100xi32, #tpu.memory_space<vmem>>
      %dma_start3A_72 = tpu.memref_squeeze %dma_start3A_71 : memref<1x100xi32, #tpu.memory_space<vmem>> -> memref<100xi32, #tpu.memory_space<vmem>>
      %dma_start3A_73 = arith.constant 0 : i32
      %dma_start3A_74 = arith.constant 0 : i32
      %dma_start3A_75 = tpu.memref_slice %arg4[%dma_start3A_73, %dma_start3A_74] : memref<1000000x64xf32, #tpu.memory_space<hbm>> -> memref<1000000x64xf32, #tpu.memory_space<hbm>>
      tpu.enqueue_indirect_dma source(%dma_start3A_75 : memref<1000000x64xf32, #tpu.memory_space<hbm>>) target(%dma_start3A_69 : memref<100x64xf32, #tpu.memory_space<vmem>>) offsets(%dma_start3A_72 : memref<100xi32, #tpu.memory_space<vmem>>) semaphore(%arg10 : memref<!tpu.dma_semaphore, #tpu.memory_space<semaphore_mem>>)
      %dma_start3A_76 = arith.constant 6 : i32
      %dma_start3A_77 = arith.constant 600 : i32
      %dma_start3A_78 = arith.constant 0 : i32
      %dma_start3A_79 = tpu.memref_slice %arg7[%dma_start3A_77, %dma_start3A_78] : memref<800x64xf32, #tpu.memory_space<vmem>> -> memref<100x64xf32, #tpu.memory_space<vmem>>
      %dma_start3A_80 = arith.constant 0 : i32
      %dma_start3A_81 = tpu.memref_slice %arg6[%dma_start3A_76, %dma_start3A_80] : memref<8x100xi32, #tpu.memory_space<vmem>> -> memref<1x100xi32, #tpu.memory_space<vmem>>
      %dma_start3A_82 = tpu.memref_squeeze %dma_start3A_81 : memref<1x100xi32, #tpu.memory_space<vmem>> -> memref<100xi32, #tpu.memory_space<vmem>>
      %dma_start3A_83 = arith.constant 0 : i32
      %dma_start3A_84 = arith.constant 0 : i32
      %dma_start3A_85 = tpu.memref_slice %arg4[%dma_start3A_83, %dma_start3A_84] : memref<1000000x64xf32, #tpu.memory_space<hbm>> -> memref<1000000x64xf32, #tpu.memory_space<hbm>>
      tpu.enqueue_indirect_dma source(%dma_start3A_85 : memref<1000000x64xf32, #tpu.memory_space<hbm>>) target(%dma_start3A_79 : memref<100x64xf32, #tpu.memory_space<vmem>>) offsets(%dma_start3A_82 : memref<100xi32, #tpu.memory_space<vmem>>) semaphore(%arg10 : memref<!tpu.dma_semaphore, #tpu.memory_space<semaphore_mem>>)
      %dma_start3A_86 = arith.constant 7 : i32
      %dma_start3A_87 = arith.constant 700 : i32
      %dma_start3A_88 = arith.constant 0 : i32
      %dma_start3A_89 = tpu.memref_slice %arg7[%dma_start3A_87, %dma_start3A_88] : memref<800x64xf32, #tpu.memory_space<vmem>> -> memref<100x64xf32, #tpu.memory_space<vmem>>
      %dma_start3A_90 = arith.constant 0 : i32
      %dma_start3A_91 = tpu.memref_slice %arg6[%dma_start3A_86, %dma_start3A_90] : memref<8x100xi32, #tpu.memory_space<vmem>> -> memref<1x100xi32, #tpu.memory_space<vmem>>
      %dma_start3A_92 = tpu.memref_squeeze %dma_start3A_91 : memref<1x100xi32, #tpu.memory_space<vmem>> -> memref<100xi32, #tpu.memory_space<vmem>>
      %dma_start3A_93 = arith.constant 0 : i32
      %dma_start3A_94 = arith.constant 0 : i32
      %dma_start3A_95 = tpu.memref_slice %arg4[%dma_start3A_93, %dma_start3A_94] : memref<1000000x64xf32, #tpu.memory_space<hbm>> -> memref<1000000x64xf32, #tpu.memory_space<hbm>>
      tpu.enqueue_indirect_dma source(%dma_start3A_95 : memref<1000000x64xf32, #tpu.memory_space<hbm>>) target(%dma_start3A_89 : memref<100x64xf32, #tpu.memory_space<vmem>>) offsets(%dma_start3A_92 : memref<100xi32, #tpu.memory_space<vmem>>) semaphore(%arg10 : memref<!tpu.dma_semaphore, #tpu.memory_space<semaphore_mem>>)
      %mul3A_96 = arith.constant 50 : i32
      %mul3A_97 = arith.muli %add3A_11, %mul3A_96 : i32
      "tpu.region"() ({
        %run_scoped3A = tpu.sem_alloc : memref<!tpu.dma_semaphore, #tpu.memory_space<semaphore_mem>>
        %dma_start3A_456 = tpu.memref_slice %arg3[%mul3A_97] : memref<204800xf32, #tpu.memory_space<hbm>> -> memref<800xf32, #tpu.memory_space<hbm>>
        %dma_start3A_457 = tpu.memref_slice %arg3[%mul3A_97] : memref<204800xf32, #tpu.memory_space<hbm>> -> memref<800xf32, #tpu.memory_space<hbm>>
        tpu.enqueue_dma source(%dma_start3A_457 : memref<800xf32, #tpu.memory_space<hbm>>) target(%arg8 : memref<800xf32, #tpu.memory_space<vmem>>) target_semaphore(%run_scoped3A : memref<!tpu.dma_semaphore, #tpu.memory_space<semaphore_mem>>)
        %dma_wait3A_458 = tpu.memref_slice %arg3[%mul3A_97] : memref<204800xf32, #tpu.memory_space<hbm>> -> memref<800xf32, #tpu.memory_space<hbm>>
        %dma_wait3A_459 = tpu.memref_slice %arg3[%mul3A_97] : memref<204800xf32, #tpu.memory_space<hbm>> -> memref<800xf32, #tpu.memory_space<hbm>>
        tpu.wait_dma2 semaphore(%run_scoped3A : memref<!tpu.dma_semaphore, #tpu.memory_space<semaphore_mem>>) src(%dma_wait3A_459 : memref<800xf32, #tpu.memory_space<hbm>>) dst(%arg8 : memref<800xf32, #tpu.memory_space<vmem>>)
        tpu.yield
      }) : () -> ()
      %dma_wait3A = arith.constant 0 : i32
      %dma_wait3A_98 = arith.constant 0 : i32
      %dma_wait3A_99 = arith.constant 0 : i32
      %dma_wait3A_100 = tpu.memref_slice %arg7[%dma_wait3A_98, %dma_wait3A_99] : memref<800x64xf32, #tpu.memory_space<vmem>> -> memref<100x64xf32, #tpu.memory_space<vmem>>
      %dma_wait3A_101 = arith.constant 0 : i32
      %dma_wait3A_102 = tpu.memref_slice %arg6[%dma_wait3A, %dma_wait3A_101] : memref<8x100xi32, #tpu.memory_space<vmem>> -> memref<1x100xi32, #tpu.memory_space<vmem>>
      %dma_wait3A_103 = tpu.memref_squeeze %dma_wait3A_102 : memref<1x100xi32, #tpu.memory_space<vmem>> -> memref<100xi32, #tpu.memory_space<vmem>>
      %dma_wait3A_104 = arith.constant 0 : i32
      %dma_wait3A_105 = arith.constant 0 : i32
      %dma_wait3A_106 = tpu.memref_slice %arg4[%dma_wait3A_104, %dma_wait3A_105] : memref<1000000x64xf32, #tpu.memory_space<hbm>> -> memref<1000000x64xf32, #tpu.memory_space<hbm>>
      tpu.wait_indirect_dma semaphore(%arg10 : memref<!tpu.dma_semaphore, #tpu.memory_space<semaphore_mem>>) src(%dma_wait3A_106 : memref<1000000x64xf32, #tpu.memory_space<hbm>>) dst(%dma_wait3A_100 : memref<100x64xf32, #tpu.memory_space<vmem>>)
      %dma_wait3A_107 = arith.constant 1 : i32
      %dma_wait3A_108 = arith.constant 100 : i32
      %dma_wait3A_109 = arith.constant 0 : i32
      %dma_wait3A_110 = tpu.memref_slice %arg7[%dma_wait3A_108, %dma_wait3A_109] : memref<800x64xf32, #tpu.memory_space<vmem>> -> memref<100x64xf32, #tpu.memory_space<vmem>>
      %dma_wait3A_111 = arith.constant 0 : i32
      %dma_wait3A_112 = tpu.memref_slice %arg6[%dma_wait3A_107, %dma_wait3A_111] : memref<8x100xi32, #tpu.memory_space<vmem>> -> memref<1x100xi32, #tpu.memory_space<vmem>>
      %dma_wait3A_113 = tpu.memref_squeeze %dma_wait3A_112 : memref<1x100xi32, #tpu.memory_space<vmem>> -> memref<100xi32, #tpu.memory_space<vmem>>
      %dma_wait3A_114 = arith.constant 0 : i32
      %dma_wait3A_115 = arith.constant 0 : i32
      %dma_wait3A_116 = tpu.memref_slice %arg4[%dma_wait3A_114, %dma_wait3A_115] : memref<1000000x64xf32, #tpu.memory_space<hbm>> -> memref<1000000x64xf32, #tpu.memory_space<hbm>>
      tpu.wait_indirect_dma semaphore(%arg10 : memref<!tpu.dma_semaphore, #tpu.memory_space<semaphore_mem>>) src(%dma_wait3A_116 : memref<1000000x64xf32, #tpu.memory_space<hbm>>) dst(%dma_wait3A_110 : memref<100x64xf32, #tpu.memory_space<vmem>>)
      %dma_wait3A_117 = arith.constant 2 : i32
      %dma_wait3A_118 = arith.constant 200 : i32
      %dma_wait3A_119 = arith.constant 0 : i32
      %dma_wait3A_120 = tpu.memref_slice %arg7[%dma_wait3A_118, %dma_wait3A_119] : memref<800x64xf32, #tpu.memory_space<vmem>> -> memref<100x64xf32, #tpu.memory_space<vmem>>
      %dma_wait3A_121 = arith.constant 0 : i32
      %dma_wait3A_122 = tpu.memref_slice %arg6[%dma_wait3A_117, %dma_wait3A_121] : memref<8x100xi32, #tpu.memory_space<vmem>> -> memref<1x100xi32, #tpu.memory_space<vmem>>
      %dma_wait3A_123 = tpu.memref_squeeze %dma_wait3A_122 : memref<1x100xi32, #tpu.memory_space<vmem>> -> memref<100xi32, #tpu.memory_space<vmem>>
      %dma_wait3A_124 = arith.constant 0 : i32
      %dma_wait3A_125 = arith.constant 0 : i32
      %dma_wait3A_126 = tpu.memref_slice %arg4[%dma_wait3A_124, %dma_wait3A_125] : memref<1000000x64xf32, #tpu.memory_space<hbm>> -> memref<1000000x64xf32, #tpu.memory_space<hbm>>
      tpu.wait_indirect_dma semaphore(%arg10 : memref<!tpu.dma_semaphore, #tpu.memory_space<semaphore_mem>>) src(%dma_wait3A_126 : memref<1000000x64xf32, #tpu.memory_space<hbm>>) dst(%dma_wait3A_120 : memref<100x64xf32, #tpu.memory_space<vmem>>)
      %dma_wait3A_127 = arith.constant 3 : i32
      %dma_wait3A_128 = arith.constant 300 : i32
      %dma_wait3A_129 = arith.constant 0 : i32
      %dma_wait3A_130 = tpu.memref_slice %arg7[%dma_wait3A_128, %dma_wait3A_129] : memref<800x64xf32, #tpu.memory_space<vmem>> -> memref<100x64xf32, #tpu.memory_space<vmem>>
      %dma_wait3A_131 = arith.constant 0 : i32
      %dma_wait3A_132 = tpu.memref_slice %arg6[%dma_wait3A_127, %dma_wait3A_131] : memref<8x100xi32, #tpu.memory_space<vmem>> -> memref<1x100xi32, #tpu.memory_space<vmem>>
      %dma_wait3A_133 = tpu.memref_squeeze %dma_wait3A_132 : memref<1x100xi32, #tpu.memory_space<vmem>> -> memref<100xi32, #tpu.memory_space<vmem>>
      %dma_wait3A_134 = arith.constant 0 : i32
      %dma_wait3A_135 = arith.constant 0 : i32
      %dma_wait3A_136 = tpu.memref_slice %arg4[%dma_wait3A_134, %dma_wait3A_135] : memref<1000000x64xf32, #tpu.memory_space<hbm>> -> memref<1000000x64xf32, #tpu.memory_space<hbm>>
      tpu.wait_indirect_dma semaphore(%arg10 : memref<!tpu.dma_semaphore, #tpu.memory_space<semaphore_mem>>) src(%dma_wait3A_136 : memref<1000000x64xf32, #tpu.memory_space<hbm>>) dst(%dma_wait3A_130 : memref<100x64xf32, #tpu.memory_space<vmem>>)
      %dma_wait3A_137 = arith.constant 4 : i32
      %dma_wait3A_138 = arith.constant 400 : i32
      %dma_wait3A_139 = arith.constant 0 : i32
      %dma_wait3A_140 = tpu.memref_slice %arg7[%dma_wait3A_138, %dma_wait3A_139] : memref<800x64xf32, #tpu.memory_space<vmem>> -> memref<100x64xf32, #tpu.memory_space<vmem>>
      %dma_wait3A_141 = arith.constant 0 : i32
      %dma_wait3A_142 = tpu.memref_slice %arg6[%dma_wait3A_137, %dma_wait3A_141] : memref<8x100xi32, #tpu.memory_space<vmem>> -> memref<1x100xi32, #tpu.memory_space<vmem>>
      %dma_wait3A_143 = tpu.memref_squeeze %dma_wait3A_142 : memref<1x100xi32, #tpu.memory_space<vmem>> -> memref<100xi32, #tpu.memory_space<vmem>>
      %dma_wait3A_144 = arith.constant 0 : i32
      %dma_wait3A_145 = arith.constant 0 : i32
      %dma_wait3A_146 = tpu.memref_slice %arg4[%dma_wait3A_144, %dma_wait3A_145] : memref<1000000x64xf32, #tpu.memory_space<hbm>> -> memref<1000000x64xf32, #tpu.memory_space<hbm>>
      tpu.wait_indirect_dma semaphore(%arg10 : memref<!tpu.dma_semaphore, #tpu.memory_space<semaphore_mem>>) src(%dma_wait3A_146 : memref<1000000x64xf32, #tpu.memory_space<hbm>>) dst(%dma_wait3A_140 : memref<100x64xf32, #tpu.memory_space<vmem>>)
      %dma_wait3A_147 = arith.constant 5 : i32
      %dma_wait3A_148 = arith.constant 500 : i32
      %dma_wait3A_149 = arith.constant 0 : i32
      %dma_wait3A_150 = tpu.memref_slice %arg7[%dma_wait3A_148, %dma_wait3A_149] : memref<800x64xf32, #tpu.memory_space<vmem>> -> memref<100x64xf32, #tpu.memory_space<vmem>>
      %dma_wait3A_151 = arith.constant 0 : i32
      %dma_wait3A_152 = tpu.memref_slice %arg6[%dma_wait3A_147, %dma_wait3A_151] : memref<8x100xi32, #tpu.memory_space<vmem>> -> memref<1x100xi32, #tpu.memory_space<vmem>>
      %dma_wait3A_153 = tpu.memref_squeeze %dma_wait3A_152 : memref<1x100xi32, #tpu.memory_space<vmem>> -> memref<100xi32, #tpu.memory_space<vmem>>
      %dma_wait3A_154 = arith.constant 0 : i32
      %dma_wait3A_155 = arith.constant 0 : i32
      %dma_wait3A_156 = tpu.memref_slice %arg4[%dma_wait3A_154, %dma_wait3A_155] : memref<1000000x64xf32, #tpu.memory_space<hbm>> -> memref<1000000x64xf32, #tpu.memory_space<hbm>>
      tpu.wait_indirect_dma semaphore(%arg10 : memref<!tpu.dma_semaphore, #tpu.memory_space<semaphore_mem>>) src(%dma_wait3A_156 : memref<1000000x64xf32, #tpu.memory_space<hbm>>) dst(%dma_wait3A_150 : memref<100x64xf32, #tpu.memory_space<vmem>>)
      %dma_wait3A_157 = arith.constant 6 : i32
      %dma_wait3A_158 = arith.constant 600 : i32
      %dma_wait3A_159 = arith.constant 0 : i32
      %dma_wait3A_160 = tpu.memref_slice %arg7[%dma_wait3A_158, %dma_wait3A_159] : memref<800x64xf32, #tpu.memory_space<vmem>> -> memref<100x64xf32, #tpu.memory_space<vmem>>
      %dma_wait3A_161 = arith.constant 0 : i32
      %dma_wait3A_162 = tpu.memref_slice %arg6[%dma_wait3A_157, %dma_wait3A_161] : memref<8x100xi32, #tpu.memory_space<vmem>> -> memref<1x100xi32, #tpu.memory_space<vmem>>
      %dma_wait3A_163 = tpu.memref_squeeze %dma_wait3A_162 : memref<1x100xi32, #tpu.memory_space<vmem>> -> memref<100xi32, #tpu.memory_space<vmem>>
      %dma_wait3A_164 = arith.constant 0 : i32
      %dma_wait3A_165 = arith.constant 0 : i32
      %dma_wait3A_166 = tpu.memref_slice %arg4[%dma_wait3A_164, %dma_wait3A_165] : memref<1000000x64xf32, #tpu.memory_space<hbm>> -> memref<1000000x64xf32, #tpu.memory_space<hbm>>
      tpu.wait_indirect_dma semaphore(%arg10 : memref<!tpu.dma_semaphore, #tpu.memory_space<semaphore_mem>>) src(%dma_wait3A_166 : memref<1000000x64xf32, #tpu.memory_space<hbm>>) dst(%dma_wait3A_160 : memref<100x64xf32, #tpu.memory_space<vmem>>)
      %dma_wait3A_167 = arith.constant 7 : i32
      %dma_wait3A_168 = arith.constant 700 : i32
      %dma_wait3A_169 = arith.constant 0 : i32
      %dma_wait3A_170 = tpu.memref_slice %arg7[%dma_wait3A_168, %dma_wait3A_169] : memref<800x64xf32, #tpu.memory_space<vmem>> -> memref<100x64xf32, #tpu.memory_space<vmem>>
      %dma_wait3A_171 = arith.constant 0 : i32
      %dma_wait3A_172 = tpu.memref_slice %arg6[%dma_wait3A_167, %dma_wait3A_171] : memref<8x100xi32, #tpu.memory_space<vmem>> -> memref<1x100xi32, #tpu.memory_space<vmem>>
      %dma_wait3A_173 = tpu.memref_squeeze %dma_wait3A_172 : memref<1x100xi32, #tpu.memory_space<vmem>> -> memref<100xi32, #tpu.memory_space<vmem>>
      %dma_wait3A_174 = arith.constant 0 : i32
      %dma_wait3A_175 = arith.constant 0 : i32
      %dma_wait3A_176 = tpu.memref_slice %arg4[%dma_wait3A_174, %dma_wait3A_175] : memref<1000000x64xf32, #tpu.memory_space<hbm>> -> memref<1000000x64xf32, #tpu.memory_space<hbm>>
      tpu.wait_indirect_dma semaphore(%arg10 : memref<!tpu.dma_semaphore, #tpu.memory_space<semaphore_mem>>) src(%dma_wait3A_176 : memref<1000000x64xf32, #tpu.memory_space<hbm>>) dst(%dma_wait3A_170 : memref<100x64xf32, #tpu.memory_space<vmem>>)
      %broadcast_in_dim3A = arith.constant 0.000000e+00 : f32
      %broadcast_in_dim3A_177 = vector.broadcast %broadcast_in_dim3A : f32 to vector<16xf32>
      %broadcast_in_dim3A_178 = arith.constant 0.000000e+00 : f32
      %broadcast_in_dim3A_179 = vector.broadcast %broadcast_in_dim3A_178 : f32 to vector<16xf32>
      %broadcast_in_dim3A_180 = arith.constant 0.000000e+00 : f32
      %broadcast_in_dim3A_181 = vector.broadcast %broadcast_in_dim3A_180 : f32 to vector<16xf32>
      %broadcast_in_dim3A_182 = arith.constant 0.000000e+00 : f32
      %broadcast_in_dim3A_183 = vector.broadcast %broadcast_in_dim3A_182 : f32 to vector<16xf32>
      %broadcast_in_dim3A_184 = arith.constant 0.000000e+00 : f32
      %broadcast_in_dim3A_185 = vector.broadcast %broadcast_in_dim3A_184 : f32 to vector<16xf32>
      %broadcast_in_dim3A_186 = arith.constant 0.000000e+00 : f32
      %broadcast_in_dim3A_187 = vector.broadcast %broadcast_in_dim3A_186 : f32 to vector<16xf32>
      %broadcast_in_dim3A_188 = arith.constant 0.000000e+00 : f32
      %broadcast_in_dim3A_189 = vector.broadcast %broadcast_in_dim3A_188 : f32 to vector<16xf32>
      %broadcast_in_dim3A_190 = arith.constant 0.000000e+00 : f32
      %broadcast_in_dim3A_191 = vector.broadcast %broadcast_in_dim3A_190 : f32 to vector<16xf32>
      %broadcast_in_dim3A_192 = arith.constant 0.000000e+00 : f32
      %broadcast_in_dim3A_193 = vector.broadcast %broadcast_in_dim3A_192 : f32 to vector<16xf32>
      %broadcast_in_dim3A_194 = arith.constant 0.000000e+00 : f32
      %broadcast_in_dim3A_195 = vector.broadcast %broadcast_in_dim3A_194 : f32 to vector<16xf32>
      %broadcast_in_dim3A_196 = arith.constant 0.000000e+00 : f32
      %broadcast_in_dim3A_197 = vector.broadcast %broadcast_in_dim3A_196 : f32 to vector<16xf32>
      %broadcast_in_dim3A_198 = arith.constant 0.000000e+00 : f32
      %broadcast_in_dim3A_199 = vector.broadcast %broadcast_in_dim3A_198 : f32 to vector<16xf32>
      %broadcast_in_dim3A_200 = arith.constant 0.000000e+00 : f32
      %broadcast_in_dim3A_201 = vector.broadcast %broadcast_in_dim3A_200 : f32 to vector<16xf32>
      %broadcast_in_dim3A_202 = arith.constant 0.000000e+00 : f32
      %broadcast_in_dim3A_203 = vector.broadcast %broadcast_in_dim3A_202 : f32 to vector<16xf32>
      %broadcast_in_dim3A_204 = arith.constant 0.000000e+00 : f32
      %broadcast_in_dim3A_205 = vector.broadcast %broadcast_in_dim3A_204 : f32 to vector<16xf32>
      %broadcast_in_dim3A_206 = arith.constant 0.000000e+00 : f32
      %broadcast_in_dim3A_207 = vector.broadcast %broadcast_in_dim3A_206 : f32 to vector<16xf32>
      %scan3A_208 = arith.constant 0 : i32
      %scan3A_209 = arith.constant 50 : i32
      %scan3A_210 = arith.addi %scan3A_208, %scan3A_209 : i32
      %scan3A_211 = arith.constant 1 : i32
      %scan3A_212:16 = scf.for %scan3A_456 = %scan3A_208 to %scan3A_210 step %scan3A_211 iter_args(%scan3A_457 = %broadcast_in_dim3A_177, %scan3A_458 = %broadcast_in_dim3A_179, %scan3A_459 = %broadcast_in_dim3A_181, %scan3A_460 = %broadcast_in_dim3A_183, %scan3A_461 = %broadcast_in_dim3A_185, %scan3A_462 = %broadcast_in_dim3A_187, %scan3A_463 = %broadcast_in_dim3A_189, %scan3A_464 = %broadcast_in_dim3A_191, %scan3A_465 = %broadcast_in_dim3A_193, %scan3A_466 = %broadcast_in_dim3A_195, %scan3A_467 = %broadcast_in_dim3A_197, %scan3A_468 = %broadcast_in_dim3A_199, %scan3A_469 = %broadcast_in_dim3A_201, %scan3A_470 = %broadcast_in_dim3A_203, %scan3A_471 = %broadcast_in_dim3A_205, %scan3A_472 = %broadcast_in_dim3A_207) -> (vector<16xf32>, vector<16xf32>, vector<16xf32>, vector<16xf32>, vector<16xf32>, vector<16xf32>, vector<16xf32>, vector<16xf32>, vector<16xf32>, vector<16xf32>, vector<16xf32>, vector<16xf32>, vector<16xf32>, vector<16xf32>, vector<16xf32>, vector<16xf32>)  : i32 {
        %mul3A_473 = arith.constant 50 : i32
        %mul3A_474 = vector.broadcast %mul3A_473 : i32 to vector<16xi32>
        %mul3A_475 = arith.muli %iota3A, %mul3A_474 : vector<16xi32>
        %add3A_476 = vector.broadcast %scan3A_456 : i32 to vector<16xi32>
        %add3A_477 = arith.addi %mul3A_475, %add3A_476 : vector<16xi32>
        %gather3A = tpu.vector_load_idx %arg8[%add3A_477] : memref<800xf32, #tpu.memory_space<vmem>>[vector<16xi32>], vector<16xf32>,
        %broadcast_in_dim3A_478 = arith.constant 0 : i32
        %broadcast_in_dim3A_479 = vector.broadcast %broadcast_in_dim3A_478 : i32 to vector<16xi32>
        %gather3A_480 = tpu.vector_load_idx %arg7[%add3A_477, %broadcast_in_dim3A_479] : memref<800x64xf32, #tpu.memory_space<vmem>>[vector<16xi32>, vector<16xi32>], vector<16xf32>,
        %mul3A_481 = arith.mulf %gather3A, %gather3A_480 : vector<16xf32>
        %add3A_482 = arith.addf %scan3A_457, %mul3A_481 : vector<16xf32>
        %broadcast_in_dim3A_483 = arith.constant 1 : i32
        %broadcast_in_dim3A_484 = vector.broadcast %broadcast_in_dim3A_483 : i32 to vector<16xi32>
        %gather3A_485 = tpu.vector_load_idx %arg7[%add3A_477, %broadcast_in_dim3A_484] : memref<800x64xf32, #tpu.memory_space<vmem>>[vector<16xi32>, vector<16xi32>], vector<16xf32>,
        %mul3A_486 = arith.mulf %gather3A, %gather3A_485 : vector<16xf32>
        %add3A_487 = arith.addf %scan3A_458, %mul3A_486 : vector<16xf32>
        %broadcast_in_dim3A_488 = arith.constant 2 : i32
        %broadcast_in_dim3A_489 = vector.broadcast %broadcast_in_dim3A_488 : i32 to vector<16xi32>
        %gather3A_490 = tpu.vector_load_idx %arg7[%add3A_477, %broadcast_in_dim3A_489] : memref<800x64xf32, #tpu.memory_space<vmem>>[vector<16xi32>, vector<16xi32>], vector<16xf32>,
        %mul3A_491 = arith.mulf %gather3A, %gather3A_490 : vector<16xf32>
        %add3A_492 = arith.addf %scan3A_459, %mul3A_491 : vector<16xf32>
        %broadcast_in_dim3A_493 = arith.constant 3 : i32
        %broadcast_in_dim3A_494 = vector.broadcast %broadcast_in_dim3A_493 : i32 to vector<16xi32>
        %gather3A_495 = tpu.vector_load_idx %arg7[%add3A_477, %broadcast_in_dim3A_494] : memref<800x64xf32, #tpu.memory_space<vmem>>[vector<16xi32>, vector<16xi32>], vector<16xf32>,
        %mul3A_496 = arith.mulf %gather3A, %gather3A_495 : vector<16xf32>
        %add3A_497 = arith.addf %scan3A_460, %mul3A_496 : vector<16xf32>
        %broadcast_in_dim3A_498 = arith.constant 4 : i32
        %broadcast_in_dim3A_499 = vector.broadcast %broadcast_in_dim3A_498 : i32 to vector<16xi32>
        %gather3A_500 = tpu.vector_load_idx %arg7[%add3A_477, %broadcast_in_dim3A_499] : memref<800x64xf32, #tpu.memory_space<vmem>>[vector<16xi32>, vector<16xi32>], vector<16xf32>,
        %mul3A_501 = arith.mulf %gather3A, %gather3A_500 : vector<16xf32>
        %add3A_502 = arith.addf %scan3A_461, %mul3A_501 : vector<16xf32>
        %broadcast_in_dim3A_503 = arith.constant 5 : i32
        %broadcast_in_dim3A_504 = vector.broadcast %broadcast_in_dim3A_503 : i32 to vector<16xi32>
        %gather3A_505 = tpu.vector_load_idx %arg7[%add3A_477, %broadcast_in_dim3A_504] : memref<800x64xf32, #tpu.memory_space<vmem>>[vector<16xi32>, vector<16xi32>], vector<16xf32>,
        %mul3A_506 = arith.mulf %gather3A, %gather3A_505 : vector<16xf32>
        %add3A_507 = arith.addf %scan3A_462, %mul3A_506 : vector<16xf32>
        %broadcast_in_dim3A_508 = arith.constant 6 : i32
        %broadcast_in_dim3A_509 = vector.broadcast %broadcast_in_dim3A_508 : i32 to vector<16xi32>
        %gather3A_510 = tpu.vector_load_idx %arg7[%add3A_477, %broadcast_in_dim3A_509] : memref<800x64xf32, #tpu.memory_space<vmem>>[vector<16xi32>, vector<16xi32>], vector<16xf32>,
        %mul3A_511 = arith.mulf %gather3A, %gather3A_510 : vector<16xf32>
        %add3A_512 = arith.addf %scan3A_463, %mul3A_511 : vector<16xf32>
        %broadcast_in_dim3A_513 = arith.constant 7 : i32
        %broadcast_in_dim3A_514 = vector.broadcast %broadcast_in_dim3A_513 : i32 to vector<16xi32>
        %gather3A_515 = tpu.vector_load_idx %arg7[%add3A_477, %broadcast_in_dim3A_514] : memref<800x64xf32, #tpu.memory_space<vmem>>[vector<16xi32>, vector<16xi32>], vector<16xf32>,
        %mul3A_516 = arith.mulf %gather3A, %gather3A_515 : vector<16xf32>
        %add3A_517 = arith.addf %scan3A_464, %mul3A_516 : vector<16xf32>
        %broadcast_in_dim3A_518 = arith.constant 8 : i32
        %broadcast_in_dim3A_519 = vector.broadcast %broadcast_in_dim3A_518 : i32 to vector<16xi32>
        %gather3A_520 = tpu.vector_load_idx %arg7[%add3A_477, %broadcast_in_dim3A_519] : memref<800x64xf32, #tpu.memory_space<vmem>>[vector<16xi32>, vector<16xi32>], vector<16xf32>,
        %mul3A_521 = arith.mulf %gather3A, %gather3A_520 : vector<16xf32>
        %add3A_522 = arith.addf %scan3A_465, %mul3A_521 : vector<16xf32>
        %broadcast_in_dim3A_523 = arith.constant 9 : i32
        %broadcast_in_dim3A_524 = vector.broadcast %broadcast_in_dim3A_523 : i32 to vector<16xi32>
        %gather3A_525 = tpu.vector_load_idx %arg7[%add3A_477, %broadcast_in_dim3A_524] : memref<800x64xf32, #tpu.memory_space<vmem>>[vector<16xi32>, vector<16xi32>], vector<16xf32>,
        %mul3A_526 = arith.mulf %gather3A, %gather3A_525 : vector<16xf32>
        %add3A_527 = arith.addf %scan3A_466, %mul3A_526 : vector<16xf32>
        %broadcast_in_dim3A_528 = arith.constant 10 : i32
        %broadcast_in_dim3A_529 = vector.broadcast %broadcast_in_dim3A_528 : i32 to vector<16xi32>
        %gather3A_530 = tpu.vector_load_idx %arg7[%add3A_477, %broadcast_in_dim3A_529] : memref<800x64xf32, #tpu.memory_space<vmem>>[vector<16xi32>, vector<16xi32>], vector<16xf32>,
        %mul3A_531 = arith.mulf %gather3A, %gather3A_530 : vector<16xf32>
        %add3A_532 = arith.addf %scan3A_467, %mul3A_531 : vector<16xf32>
        %broadcast_in_dim3A_533 = arith.constant 11 : i32
        %broadcast_in_dim3A_534 = vector.broadcast %broadcast_in_dim3A_533 : i32 to vector<16xi32>
        %gather3A_535 = tpu.vector_load_idx %arg7[%add3A_477, %broadcast_in_dim3A_534] : memref<800x64xf32, #tpu.memory_space<vmem>>[vector<16xi32>, vector<16xi32>], vector<16xf32>,
        %mul3A_536 = arith.mulf %gather3A, %gather3A_535 : vector<16xf32>
        %add3A_537 = arith.addf %scan3A_468, %mul3A_536 : vector<16xf32>
        %broadcast_in_dim3A_538 = arith.constant 12 : i32
        %broadcast_in_dim3A_539 = vector.broadcast %broadcast_in_dim3A_538 : i32 to vector<16xi32>
        %gather3A_540 = tpu.vector_load_idx %arg7[%add3A_477, %broadcast_in_dim3A_539] : memref<800x64xf32, #tpu.memory_space<vmem>>[vector<16xi32>, vector<16xi32>], vector<16xf32>,
        %mul3A_541 = arith.mulf %gather3A, %gather3A_540 : vector<16xf32>
        %add3A_542 = arith.addf %scan3A_469, %mul3A_541 : vector<16xf32>
        %broadcast_in_dim3A_543 = arith.constant 13 : i32
        %broadcast_in_dim3A_544 = vector.broadcast %broadcast_in_dim3A_543 : i32 to vector<16xi32>
        %gather3A_545 = tpu.vector_load_idx %arg7[%add3A_477, %broadcast_in_dim3A_544] : memref<800x64xf32, #tpu.memory_space<vmem>>[vector<16xi32>, vector<16xi32>], vector<16xf32>,
        %mul3A_546 = arith.mulf %gather3A, %gather3A_545 : vector<16xf32>
        %add3A_547 = arith.addf %scan3A_470, %mul3A_546 : vector<16xf32>
        %broadcast_in_dim3A_548 = arith.constant 14 : i32
        %broadcast_in_dim3A_549 = vector.broadcast %broadcast_in_dim3A_548 : i32 to vector<16xi32>
        %gather3A_550 = tpu.vector_load_idx %arg7[%add3A_477, %broadcast_in_dim3A_549] : memref<800x64xf32, #tpu.memory_space<vmem>>[vector<16xi32>, vector<16xi32>], vector<16xf32>,
        %mul3A_551 = arith.mulf %gather3A, %gather3A_550 : vector<16xf32>
        %add3A_552 = arith.addf %scan3A_471, %mul3A_551 : vector<16xf32>
        %broadcast_in_dim3A_553 = arith.constant 15 : i32
        %broadcast_in_dim3A_554 = vector.broadcast %broadcast_in_dim3A_553 : i32 to vector<16xi32>
        %gather3A_555 = tpu.vector_load_idx %arg7[%add3A_477, %broadcast_in_dim3A_554] : memref<800x64xf32, #tpu.memory_space<vmem>>[vector<16xi32>, vector<16xi32>], vector<16xf32>,
        %mul3A_556 = arith.mulf %gather3A, %gather3A_555 : vector<16xf32>
        %add3A_557 = arith.addf %scan3A_472, %mul3A_556 : vector<16xf32>
        scf.yield %add3A_482, %add3A_487, %add3A_492, %add3A_497, %add3A_502, %add3A_507, %add3A_512, %add3A_517, %add3A_522, %add3A_527, %add3A_532, %add3A_537, %add3A_542, %add3A_547, %add3A_552, %add3A_557 : vector<16xf32>, vector<16xf32>, vector<16xf32>, vector<16xf32>, vector<16xf32>, vector<16xf32>, vector<16xf32>, vector<16xf32>, vector<16xf32>, vector<16xf32>, vector<16xf32>, vector<16xf32>, vector<16xf32>, vector<16xf32>, vector<16xf32>, vector<16xf32>
      }
      %scan3A_213 = arith.constant 50 : i32
      %broadcast_in_dim3A_214 = arith.constant 0 : i32
      %broadcast_in_dim3A_215 = vector.broadcast %broadcast_in_dim3A_214 : i32 to vector<16xi32>
      tpu.vector_store_idx %arg9[%iota3A, %broadcast_in_dim3A_215], %scan3A_212#0 : memref<16x64xf32, #tpu.memory_space<vmem>>[vector<16xi32>, vector<16xi32>], vector<16xf32>,
      %broadcast_in_dim3A_216 = arith.constant 1 : i32
      %broadcast_in_dim3A_217 = vector.broadcast %broadcast_in_dim3A_216 : i32 to vector<16xi32>
      tpu.vector_store_idx %arg9[%iota3A, %broadcast_in_dim3A_217], %scan3A_212#1 : memref<16x64xf32, #tpu.memory_space<vmem>>[vector<16xi32>, vector<16xi32>], vector<16xf32>,
      %broadcast_in_dim3A_218 = arith.constant 2 : i32
      %broadcast_in_dim3A_219 = vector.broadcast %broadcast_in_dim3A_218 : i32 to vector<16xi32>
      tpu.vector_store_idx %arg9[%iota3A, %broadcast_in_dim3A_219], %scan3A_212#2 : memref<16x64xf32, #tpu.memory_space<vmem>>[vector<16xi32>, vector<16xi32>], vector<16xf32>,
      %broadcast_in_dim3A_220 = arith.constant 3 : i32
      %broadcast_in_dim3A_221 = vector.broadcast %broadcast_in_dim3A_220 : i32 to vector<16xi32>
      tpu.vector_store_idx %arg9[%iota3A, %broadcast_in_dim3A_221], %scan3A_212#3 : memref<16x64xf32, #tpu.memory_space<vmem>>[vector<16xi32>, vector<16xi32>], vector<16xf32>,
      %broadcast_in_dim3A_222 = arith.constant 4 : i32
      %broadcast_in_dim3A_223 = vector.broadcast %broadcast_in_dim3A_222 : i32 to vector<16xi32>
      tpu.vector_store_idx %arg9[%iota3A, %broadcast_in_dim3A_223], %scan3A_212#4 : memref<16x64xf32, #tpu.memory_space<vmem>>[vector<16xi32>, vector<16xi32>], vector<16xf32>,
      %broadcast_in_dim3A_224 = arith.constant 5 : i32
      %broadcast_in_dim3A_225 = vector.broadcast %broadcast_in_dim3A_224 : i32 to vector<16xi32>
      tpu.vector_store_idx %arg9[%iota3A, %broadcast_in_dim3A_225], %scan3A_212#5 : memref<16x64xf32, #tpu.memory_space<vmem>>[vector<16xi32>, vector<16xi32>], vector<16xf32>,
      %broadcast_in_dim3A_226 = arith.constant 6 : i32
      %broadcast_in_dim3A_227 = vector.broadcast %broadcast_in_dim3A_226 : i32 to vector<16xi32>
      tpu.vector_store_idx %arg9[%iota3A, %broadcast_in_dim3A_227], %scan3A_212#6 : memref<16x64xf32, #tpu.memory_space<vmem>>[vector<16xi32>, vector<16xi32>], vector<16xf32>,
      %broadcast_in_dim3A_228 = arith.constant 7 : i32
      %broadcast_in_dim3A_229 = vector.broadcast %broadcast_in_dim3A_228 : i32 to vector<16xi32>
      tpu.vector_store_idx %arg9[%iota3A, %broadcast_in_dim3A_229], %scan3A_212#7 : memref<16x64xf32, #tpu.memory_space<vmem>>[vector<16xi32>, vector<16xi32>], vector<16xf32>,
      %broadcast_in_dim3A_230 = arith.constant 8 : i32
      %broadcast_in_dim3A_231 = vector.broadcast %broadcast_in_dim3A_230 : i32 to vector<16xi32>
      tpu.vector_store_idx %arg9[%iota3A, %broadcast_in_dim3A_231], %scan3A_212#8 : memref<16x64xf32, #tpu.memory_space<vmem>>[vector<16xi32>, vector<16xi32>], vector<16xf32>,
      %broadcast_in_dim3A_232 = arith.constant 9 : i32
      %broadcast_in_dim3A_233 = vector.broadcast %broadcast_in_dim3A_232 : i32 to vector<16xi32>
      tpu.vector_store_idx %arg9[%iota3A, %broadcast_in_dim3A_233], %scan3A_212#9 : memref<16x64xf32, #tpu.memory_space<vmem>>[vector<16xi32>, vector<16xi32>], vector<16xf32>,
      %broadcast_in_dim3A_234 = arith.constant 10 : i32
      %broadcast_in_dim3A_235 = vector.broadcast %broadcast_in_dim3A_234 : i32 to vector<16xi32>
      tpu.vector_store_idx %arg9[%iota3A, %broadcast_in_dim3A_235], %scan3A_212#10 : memref<16x64xf32, #tpu.memory_space<vmem>>[vector<16xi32>, vector<16xi32>], vector<16xf32>,
      %broadcast_in_dim3A_236 = arith.constant 11 : i32
      %broadcast_in_dim3A_237 = vector.broadcast %broadcast_in_dim3A_236 : i32 to vector<16xi32>
      tpu.vector_store_idx %arg9[%iota3A, %broadcast_in_dim3A_237], %scan3A_212#11 : memref<16x64xf32, #tpu.memory_space<vmem>>[vector<16xi32>, vector<16xi32>], vector<16xf32>,
      %broadcast_in_dim3A_238 = arith.constant 12 : i32
      %broadcast_in_dim3A_239 = vector.broadcast %broadcast_in_dim3A_238 : i32 to vector<16xi32>
      tpu.vector_store_idx %arg9[%iota3A, %broadcast_in_dim3A_239], %scan3A_212#12 : memref<16x64xf32, #tpu.memory_space<vmem>>[vector<16xi32>, vector<16xi32>], vector<16xf32>,
      %broadcast_in_dim3A_240 = arith.constant 13 : i32
      %broadcast_in_dim3A_241 = vector.broadcast %broadcast_in_dim3A_240 : i32 to vector<16xi32>
      tpu.vector_store_idx %arg9[%iota3A, %broadcast_in_dim3A_241], %scan3A_212#13 : memref<16x64xf32, #tpu.memory_space<vmem>>[vector<16xi32>, vector<16xi32>], vector<16xf32>,
      %broadcast_in_dim3A_242 = arith.constant 14 : i32
      %broadcast_in_dim3A_243 = vector.broadcast %broadcast_in_dim3A_242 : i32 to vector<16xi32>
      tpu.vector_store_idx %arg9[%iota3A, %broadcast_in_dim3A_243], %scan3A_212#14 : memref<16x64xf32, #tpu.memory_space<vmem>>[vector<16xi32>, vector<16xi32>], vector<16xf32>,
      %broadcast_in_dim3A_244 = arith.constant 15 : i32
      %broadcast_in_dim3A_245 = vector.broadcast %broadcast_in_dim3A_244 : i32 to vector<16xi32>
      tpu.vector_store_idx %arg9[%iota3A, %broadcast_in_dim3A_245], %scan3A_212#15 : memref<16x64xf32, #tpu.memory_space<vmem>>[vector<16xi32>, vector<16xi32>], vector<16xf32>,
      %broadcast_in_dim3A_246 = arith.constant 0.000000e+00 : f32
      %broadcast_in_dim3A_247 = vector.broadcast %broadcast_in_dim3A_246 : f32 to vector<16xf32>
      %broadcast_in_dim3A_248 = arith.constant 0.000000e+00 : f32
      %broadcast_in_dim3A_249 = vector.broadcast %broadcast_in_dim3A_248 : f32 to vector<16xf32>
      %broadcast_in_dim3A_250 = arith.constant 0.000000e+00 : f32
      %broadcast_in_dim3A_251 = vector.broadcast %broadcast_in_dim3A_250 : f32 to vector<16xf32>
      %broadcast_in_dim3A_252 = arith.constant 0.000000e+00 : f32
      %broadcast_in_dim3A_253 = vector.broadcast %broadcast_in_dim3A_252 : f32 to vector<16xf32>
      %broadcast_in_dim3A_254 = arith.constant 0.000000e+00 : f32
      %broadcast_in_dim3A_255 = vector.broadcast %broadcast_in_dim3A_254 : f32 to vector<16xf32>
      %broadcast_in_dim3A_256 = arith.constant 0.000000e+00 : f32
      %broadcast_in_dim3A_257 = vector.broadcast %broadcast_in_dim3A_256 : f32 to vector<16xf32>
      %broadcast_in_dim3A_258 = arith.constant 0.000000e+00 : f32
      %broadcast_in_dim3A_259 = vector.broadcast %broadcast_in_dim3A_258 : f32 to vector<16xf32>
      %broadcast_in_dim3A_260 = arith.constant 0.000000e+00 : f32
      %broadcast_in_dim3A_261 = vector.broadcast %broadcast_in_dim3A_260 : f32 to vector<16xf32>
      %broadcast_in_dim3A_262 = arith.constant 0.000000e+00 : f32
      %broadcast_in_dim3A_263 = vector.broadcast %broadcast_in_dim3A_262 : f32 to vector<16xf32>
      %broadcast_in_dim3A_264 = arith.constant 0.000000e+00 : f32
      %broadcast_in_dim3A_265 = vector.broadcast %broadcast_in_dim3A_264 : f32 to vector<16xf32>
      %broadcast_in_dim3A_266 = arith.constant 0.000000e+00 : f32
      %broadcast_in_dim3A_267 = vector.broadcast %broadcast_in_dim3A_266 : f32 to vector<16xf32>
      %broadcast_in_dim3A_268 = arith.constant 0.000000e+00 : f32
      %broadcast_in_dim3A_269 = vector.broadcast %broadcast_in_dim3A_268 : f32 to vector<16xf32>
      %broadcast_in_dim3A_270 = arith.constant 0.000000e+00 : f32
      %broadcast_in_dim3A_271 = vector.broadcast %broadcast_in_dim3A_270 : f32 to vector<16xf32>
      %broadcast_in_dim3A_272 = arith.constant 0.000000e+00 : f32
      %broadcast_in_dim3A_273 = vector.broadcast %broadcast_in_dim3A_272 : f32 to vector<16xf32>
      %broadcast_in_dim3A_274 = arith.constant 0.000000e+00 : f32
      %broadcast_in_dim3A_275 = vector.broadcast %broadcast_in_dim3A_274 : f32 to vector<16xf32>
      %broadcast_in_dim3A_276 = arith.constant 0.000000e+00 : f32
      %broadcast_in_dim3A_277 = vector.broadcast %broadcast_in_dim3A_276 : f32 to vector<16xf32>
      %scan3A_278 = arith.constant 0 : i32
      %scan3A_279 = arith.constant 50 : i32
      %scan3A_280 = arith.addi %scan3A_278, %scan3A_279 : i32
      %scan3A_281 = arith.constant 1 : i32
      %scan3A_282:16 = scf.for %scan3A_456 = %scan3A_278 to %scan3A_280 step %scan3A_281 iter_args(%scan3A_457 = %broadcast_in_dim3A_247, %scan3A_458 = %broadcast_in_dim3A_249, %scan3A_459 = %broadcast_in_dim3A_251, %scan3A_460 = %broadcast_in_dim3A_253, %scan3A_461 = %broadcast_in_dim3A_255, %scan3A_462 = %broadcast_in_dim3A_257, %scan3A_463 = %broadcast_in_dim3A_259, %scan3A_464 = %broadcast_in_dim3A_261, %scan3A_465 = %broadcast_in_dim3A_263, %scan3A_466 = %broadcast_in_dim3A_265, %scan3A_467 = %broadcast_in_dim3A_267, %scan3A_468 = %broadcast_in_dim3A_269, %scan3A_469 = %broadcast_in_dim3A_271, %scan3A_470 = %broadcast_in_dim3A_273, %scan3A_471 = %broadcast_in_dim3A_275, %scan3A_472 = %broadcast_in_dim3A_277) -> (vector<16xf32>, vector<16xf32>, vector<16xf32>, vector<16xf32>, vector<16xf32>, vector<16xf32>, vector<16xf32>, vector<16xf32>, vector<16xf32>, vector<16xf32>, vector<16xf32>, vector<16xf32>, vector<16xf32>, vector<16xf32>, vector<16xf32>, vector<16xf32>)  : i32 {
        %mul3A_473 = arith.constant 50 : i32
        %mul3A_474 = vector.broadcast %mul3A_473 : i32 to vector<16xi32>
        %mul3A_475 = arith.muli %iota3A, %mul3A_474 : vector<16xi32>
        %add3A_476 = vector.broadcast %scan3A_456 : i32 to vector<16xi32>
        %add3A_477 = arith.addi %mul3A_475, %add3A_476 : vector<16xi32>
        %gather3A = tpu.vector_load_idx %arg8[%add3A_477] : memref<800xf32, #tpu.memory_space<vmem>>[vector<16xi32>], vector<16xf32>,
        %broadcast_in_dim3A_478 = arith.constant 16 : i32
        %broadcast_in_dim3A_479 = vector.broadcast %broadcast_in_dim3A_478 : i32 to vector<16xi32>
        %gather3A_480 = tpu.vector_load_idx %arg7[%add3A_477, %broadcast_in_dim3A_479] : memref<800x64xf32, #tpu.memory_space<vmem>>[vector<16xi32>, vector<16xi32>], vector<16xf32>,
        %mul3A_481 = arith.mulf %gather3A, %gather3A_480 : vector<16xf32>
        %add3A_482 = arith.addf %scan3A_457, %mul3A_481 : vector<16xf32>
        %broadcast_in_dim3A_483 = arith.constant 17 : i32
        %broadcast_in_dim3A_484 = vector.broadcast %broadcast_in_dim3A_483 : i32 to vector<16xi32>
        %gather3A_485 = tpu.vector_load_idx %arg7[%add3A_477, %broadcast_in_dim3A_484] : memref<800x64xf32, #tpu.memory_space<vmem>>[vector<16xi32>, vector<16xi32>], vector<16xf32>,
        %mul3A_486 = arith.mulf %gather3A, %gather3A_485 : vector<16xf32>
        %add3A_487 = arith.addf %scan3A_458, %mul3A_486 : vector<16xf32>
        %broadcast_in_dim3A_488 = arith.constant 18 : i32
        %broadcast_in_dim3A_489 = vector.broadcast %broadcast_in_dim3A_488 : i32 to vector<16xi32>
        %gather3A_490 = tpu.vector_load_idx %arg7[%add3A_477, %broadcast_in_dim3A_489] : memref<800x64xf32, #tpu.memory_space<vmem>>[vector<16xi32>, vector<16xi32>], vector<16xf32>,
        %mul3A_491 = arith.mulf %gather3A, %gather3A_490 : vector<16xf32>
        %add3A_492 = arith.addf %scan3A_459, %mul3A_491 : vector<16xf32>
        %broadcast_in_dim3A_493 = arith.constant 19 : i32
        %broadcast_in_dim3A_494 = vector.broadcast %broadcast_in_dim3A_493 : i32 to vector<16xi32>
        %gather3A_495 = tpu.vector_load_idx %arg7[%add3A_477, %broadcast_in_dim3A_494] : memref<800x64xf32, #tpu.memory_space<vmem>>[vector<16xi32>, vector<16xi32>], vector<16xf32>,
        %mul3A_496 = arith.mulf %gather3A, %gather3A_495 : vector<16xf32>
        %add3A_497 = arith.addf %scan3A_460, %mul3A_496 : vector<16xf32>
        %broadcast_in_dim3A_498 = arith.constant 20 : i32
        %broadcast_in_dim3A_499 = vector.broadcast %broadcast_in_dim3A_498 : i32 to vector<16xi32>
        %gather3A_500 = tpu.vector_load_idx %arg7[%add3A_477, %broadcast_in_dim3A_499] : memref<800x64xf32, #tpu.memory_space<vmem>>[vector<16xi32>, vector<16xi32>], vector<16xf32>,
        %mul3A_501 = arith.mulf %gather3A, %gather3A_500 : vector<16xf32>
        %add3A_502 = arith.addf %scan3A_461, %mul3A_501 : vector<16xf32>
        %broadcast_in_dim3A_503 = arith.constant 21 : i32
        %broadcast_in_dim3A_504 = vector.broadcast %broadcast_in_dim3A_503 : i32 to vector<16xi32>
        %gather3A_505 = tpu.vector_load_idx %arg7[%add3A_477, %broadcast_in_dim3A_504] : memref<800x64xf32, #tpu.memory_space<vmem>>[vector<16xi32>, vector<16xi32>], vector<16xf32>,
        %mul3A_506 = arith.mulf %gather3A, %gather3A_505 : vector<16xf32>
        %add3A_507 = arith.addf %scan3A_462, %mul3A_506 : vector<16xf32>
        %broadcast_in_dim3A_508 = arith.constant 22 : i32
        %broadcast_in_dim3A_509 = vector.broadcast %broadcast_in_dim3A_508 : i32 to vector<16xi32>
        %gather3A_510 = tpu.vector_load_idx %arg7[%add3A_477, %broadcast_in_dim3A_509] : memref<800x64xf32, #tpu.memory_space<vmem>>[vector<16xi32>, vector<16xi32>], vector<16xf32>,
        %mul3A_511 = arith.mulf %gather3A, %gather3A_510 : vector<16xf32>
        %add3A_512 = arith.addf %scan3A_463, %mul3A_511 : vector<16xf32>
        %broadcast_in_dim3A_513 = arith.constant 23 : i32
        %broadcast_in_dim3A_514 = vector.broadcast %broadcast_in_dim3A_513 : i32 to vector<16xi32>
        %gather3A_515 = tpu.vector_load_idx %arg7[%add3A_477, %broadcast_in_dim3A_514] : memref<800x64xf32, #tpu.memory_space<vmem>>[vector<16xi32>, vector<16xi32>], vector<16xf32>,
        %mul3A_516 = arith.mulf %gather3A, %gather3A_515 : vector<16xf32>
        %add3A_517 = arith.addf %scan3A_464, %mul3A_516 : vector<16xf32>
        %broadcast_in_dim3A_518 = arith.constant 24 : i32
        %broadcast_in_dim3A_519 = vector.broadcast %broadcast_in_dim3A_518 : i32 to vector<16xi32>
        %gather3A_520 = tpu.vector_load_idx %arg7[%add3A_477, %broadcast_in_dim3A_519] : memref<800x64xf32, #tpu.memory_space<vmem>>[vector<16xi32>, vector<16xi32>], vector<16xf32>,
        %mul3A_521 = arith.mulf %gather3A, %gather3A_520 : vector<16xf32>
        %add3A_522 = arith.addf %scan3A_465, %mul3A_521 : vector<16xf32>
        %broadcast_in_dim3A_523 = arith.constant 25 : i32
        %broadcast_in_dim3A_524 = vector.broadcast %broadcast_in_dim3A_523 : i32 to vector<16xi32>
        %gather3A_525 = tpu.vector_load_idx %arg7[%add3A_477, %broadcast_in_dim3A_524] : memref<800x64xf32, #tpu.memory_space<vmem>>[vector<16xi32>, vector<16xi32>], vector<16xf32>,
        %mul3A_526 = arith.mulf %gather3A, %gather3A_525 : vector<16xf32>
        %add3A_527 = arith.addf %scan3A_466, %mul3A_526 : vector<16xf32>
        %broadcast_in_dim3A_528 = arith.constant 26 : i32
        %broadcast_in_dim3A_529 = vector.broadcast %broadcast_in_dim3A_528 : i32 to vector<16xi32>
        %gather3A_530 = tpu.vector_load_idx %arg7[%add3A_477, %broadcast_in_dim3A_529] : memref<800x64xf32, #tpu.memory_space<vmem>>[vector<16xi32>, vector<16xi32>], vector<16xf32>,
        %mul3A_531 = arith.mulf %gather3A, %gather3A_530 : vector<16xf32>
        %add3A_532 = arith.addf %scan3A_467, %mul3A_531 : vector<16xf32>
        %broadcast_in_dim3A_533 = arith.constant 27 : i32
        %broadcast_in_dim3A_534 = vector.broadcast %broadcast_in_dim3A_533 : i32 to vector<16xi32>
        %gather3A_535 = tpu.vector_load_idx %arg7[%add3A_477, %broadcast_in_dim3A_534] : memref<800x64xf32, #tpu.memory_space<vmem>>[vector<16xi32>, vector<16xi32>], vector<16xf32>,
        %mul3A_536 = arith.mulf %gather3A, %gather3A_535 : vector<16xf32>
        %add3A_537 = arith.addf %scan3A_468, %mul3A_536 : vector<16xf32>
        %broadcast_in_dim3A_538 = arith.constant 28 : i32
        %broadcast_in_dim3A_539 = vector.broadcast %broadcast_in_dim3A_538 : i32 to vector<16xi32>
        %gather3A_540 = tpu.vector_load_idx %arg7[%add3A_477, %broadcast_in_dim3A_539] : memref<800x64xf32, #tpu.memory_space<vmem>>[vector<16xi32>, vector<16xi32>], vector<16xf32>,
        %mul3A_541 = arith.mulf %gather3A, %gather3A_540 : vector<16xf32>
        %add3A_542 = arith.addf %scan3A_469, %mul3A_541 : vector<16xf32>
        %broadcast_in_dim3A_543 = arith.constant 29 : i32
        %broadcast_in_dim3A_544 = vector.broadcast %broadcast_in_dim3A_543 : i32 to vector<16xi32>
        %gather3A_545 = tpu.vector_load_idx %arg7[%add3A_477, %broadcast_in_dim3A_544] : memref<800x64xf32, #tpu.memory_space<vmem>>[vector<16xi32>, vector<16xi32>], vector<16xf32>,
        %mul3A_546 = arith.mulf %gather3A, %gather3A_545 : vector<16xf32>
        %add3A_547 = arith.addf %scan3A_470, %mul3A_546 : vector<16xf32>
        %broadcast_in_dim3A_548 = arith.constant 30 : i32
        %broadcast_in_dim3A_549 = vector.broadcast %broadcast_in_dim3A_548 : i32 to vector<16xi32>
        %gather3A_550 = tpu.vector_load_idx %arg7[%add3A_477, %broadcast_in_dim3A_549] : memref<800x64xf32, #tpu.memory_space<vmem>>[vector<16xi32>, vector<16xi32>], vector<16xf32>,
        %mul3A_551 = arith.mulf %gather3A, %gather3A_550 : vector<16xf32>
        %add3A_552 = arith.addf %scan3A_471, %mul3A_551 : vector<16xf32>
        %broadcast_in_dim3A_553 = arith.constant 31 : i32
        %broadcast_in_dim3A_554 = vector.broadcast %broadcast_in_dim3A_553 : i32 to vector<16xi32>
        %gather3A_555 = tpu.vector_load_idx %arg7[%add3A_477, %broadcast_in_dim3A_554] : memref<800x64xf32, #tpu.memory_space<vmem>>[vector<16xi32>, vector<16xi32>], vector<16xf32>,
        %mul3A_556 = arith.mulf %gather3A, %gather3A_555 : vector<16xf32>
        %add3A_557 = arith.addf %scan3A_472, %mul3A_556 : vector<16xf32>
        scf.yield %add3A_482, %add3A_487, %add3A_492, %add3A_497, %add3A_502, %add3A_507, %add3A_512, %add3A_517, %add3A_522, %add3A_527, %add3A_532, %add3A_537, %add3A_542, %add3A_547, %add3A_552, %add3A_557 : vector<16xf32>, vector<16xf32>, vector<16xf32>, vector<16xf32>, vector<16xf32>, vector<16xf32>, vector<16xf32>, vector<16xf32>, vector<16xf32>, vector<16xf32>, vector<16xf32>, vector<16xf32>, vector<16xf32>, vector<16xf32>, vector<16xf32>, vector<16xf32>
      }
      %scan3A_283 = arith.constant 50 : i32
      %broadcast_in_dim3A_284 = arith.constant 16 : i32
      %broadcast_in_dim3A_285 = vector.broadcast %broadcast_in_dim3A_284 : i32 to vector<16xi32>
      tpu.vector_store_idx %arg9[%iota3A, %broadcast_in_dim3A_285], %scan3A_282#0 : memref<16x64xf32, #tpu.memory_space<vmem>>[vector<16xi32>, vector<16xi32>], vector<16xf32>,
      %broadcast_in_dim3A_286 = arith.constant 17 : i32
      %broadcast_in_dim3A_287 = vector.broadcast %broadcast_in_dim3A_286 : i32 to vector<16xi32>
      tpu.vector_store_idx %arg9[%iota3A, %broadcast_in_dim3A_287], %scan3A_282#1 : memref<16x64xf32, #tpu.memory_space<vmem>>[vector<16xi32>, vector<16xi32>], vector<16xf32>,
      %broadcast_in_dim3A_288 = arith.constant 18 : i32
      %broadcast_in_dim3A_289 = vector.broadcast %broadcast_in_dim3A_288 : i32 to vector<16xi32>
      tpu.vector_store_idx %arg9[%iota3A, %broadcast_in_dim3A_289], %scan3A_282#2 : memref<16x64xf32, #tpu.memory_space<vmem>>[vector<16xi32>, vector<16xi32>], vector<16xf32>,
      %broadcast_in_dim3A_290 = arith.constant 19 : i32
      %broadcast_in_dim3A_291 = vector.broadcast %broadcast_in_dim3A_290 : i32 to vector<16xi32>
      tpu.vector_store_idx %arg9[%iota3A, %broadcast_in_dim3A_291], %scan3A_282#3 : memref<16x64xf32, #tpu.memory_space<vmem>>[vector<16xi32>, vector<16xi32>], vector<16xf32>,
      %broadcast_in_dim3A_292 = arith.constant 20 : i32
      %broadcast_in_dim3A_293 = vector.broadcast %broadcast_in_dim3A_292 : i32 to vector<16xi32>
      tpu.vector_store_idx %arg9[%iota3A, %broadcast_in_dim3A_293], %scan3A_282#4 : memref<16x64xf32, #tpu.memory_space<vmem>>[vector<16xi32>, vector<16xi32>], vector<16xf32>,
      %broadcast_in_dim3A_294 = arith.constant 21 : i32
      %broadcast_in_dim3A_295 = vector.broadcast %broadcast_in_dim3A_294 : i32 to vector<16xi32>
      tpu.vector_store_idx %arg9[%iota3A, %broadcast_in_dim3A_295], %scan3A_282#5 : memref<16x64xf32, #tpu.memory_space<vmem>>[vector<16xi32>, vector<16xi32>], vector<16xf32>,
      %broadcast_in_dim3A_296 = arith.constant 22 : i32
      %broadcast_in_dim3A_297 = vector.broadcast %broadcast_in_dim3A_296 : i32 to vector<16xi32>
      tpu.vector_store_idx %arg9[%iota3A, %broadcast_in_dim3A_297], %scan3A_282#6 : memref<16x64xf32, #tpu.memory_space<vmem>>[vector<16xi32>, vector<16xi32>], vector<16xf32>,
      %broadcast_in_dim3A_298 = arith.constant 23 : i32
      %broadcast_in_dim3A_299 = vector.broadcast %broadcast_in_dim3A_298 : i32 to vector<16xi32>
      tpu.vector_store_idx %arg9[%iota3A, %broadcast_in_dim3A_299], %scan3A_282#7 : memref<16x64xf32, #tpu.memory_space<vmem>>[vector<16xi32>, vector<16xi32>], vector<16xf32>,
      %broadcast_in_dim3A_300 = arith.constant 24 : i32
      %broadcast_in_dim3A_301 = vector.broadcast %broadcast_in_dim3A_300 : i32 to vector<16xi32>
      tpu.vector_store_idx %arg9[%iota3A, %broadcast_in_dim3A_301], %scan3A_282#8 : memref<16x64xf32, #tpu.memory_space<vmem>>[vector<16xi32>, vector<16xi32>], vector<16xf32>,
      %broadcast_in_dim3A_302 = arith.constant 25 : i32
      %broadcast_in_dim3A_303 = vector.broadcast %broadcast_in_dim3A_302 : i32 to vector<16xi32>
      tpu.vector_store_idx %arg9[%iota3A, %broadcast_in_dim3A_303], %scan3A_282#9 : memref<16x64xf32, #tpu.memory_space<vmem>>[vector<16xi32>, vector<16xi32>], vector<16xf32>,
      %broadcast_in_dim3A_304 = arith.constant 26 : i32
      %broadcast_in_dim3A_305 = vector.broadcast %broadcast_in_dim3A_304 : i32 to vector<16xi32>
      tpu.vector_store_idx %arg9[%iota3A, %broadcast_in_dim3A_305], %scan3A_282#10 : memref<16x64xf32, #tpu.memory_space<vmem>>[vector<16xi32>, vector<16xi32>], vector<16xf32>,
      %broadcast_in_dim3A_306 = arith.constant 27 : i32
      %broadcast_in_dim3A_307 = vector.broadcast %broadcast_in_dim3A_306 : i32 to vector<16xi32>
      tpu.vector_store_idx %arg9[%iota3A, %broadcast_in_dim3A_307], %scan3A_282#11 : memref<16x64xf32, #tpu.memory_space<vmem>>[vector<16xi32>, vector<16xi32>], vector<16xf32>,
      %broadcast_in_dim3A_308 = arith.constant 28 : i32
      %broadcast_in_dim3A_309 = vector.broadcast %broadcast_in_dim3A_308 : i32 to vector<16xi32>
      tpu.vector_store_idx %arg9[%iota3A, %broadcast_in_dim3A_309], %scan3A_282#12 : memref<16x64xf32, #tpu.memory_space<vmem>>[vector<16xi32>, vector<16xi32>], vector<16xf32>,
      %broadcast_in_dim3A_310 = arith.constant 29 : i32
      %broadcast_in_dim3A_311 = vector.broadcast %broadcast_in_dim3A_310 : i32 to vector<16xi32>
      tpu.vector_store_idx %arg9[%iota3A, %broadcast_in_dim3A_311], %scan3A_282#13 : memref<16x64xf32, #tpu.memory_space<vmem>>[vector<16xi32>, vector<16xi32>], vector<16xf32>,
      %broadcast_in_dim3A_312 = arith.constant 30 : i32
      %broadcast_in_dim3A_313 = vector.broadcast %broadcast_in_dim3A_312 : i32 to vector<16xi32>
      tpu.vector_store_idx %arg9[%iota3A, %broadcast_in_dim3A_313], %scan3A_282#14 : memref<16x64xf32, #tpu.memory_space<vmem>>[vector<16xi32>, vector<16xi32>], vector<16xf32>,
      %broadcast_in_dim3A_314 = arith.constant 31 : i32
      %broadcast_in_dim3A_315 = vector.broadcast %broadcast_in_dim3A_314 : i32 to vector<16xi32>
      tpu.vector_store_idx %arg9[%iota3A, %broadcast_in_dim3A_315], %scan3A_282#15 : memref<16x64xf32, #tpu.memory_space<vmem>>[vector<16xi32>, vector<16xi32>], vector<16xf32>,
      %broadcast_in_dim3A_316 = arith.constant 0.000000e+00 : f32
      %broadcast_in_dim3A_317 = vector.broadcast %broadcast_in_dim3A_316 : f32 to vector<16xf32>
      %broadcast_in_dim3A_318 = arith.constant 0.000000e+00 : f32
      %broadcast_in_dim3A_319 = vector.broadcast %broadcast_in_dim3A_318 : f32 to vector<16xf32>
      %broadcast_in_dim3A_320 = arith.constant 0.000000e+00 : f32
      %broadcast_in_dim3A_321 = vector.broadcast %broadcast_in_dim3A_320 : f32 to vector<16xf32>
      %broadcast_in_dim3A_322 = arith.constant 0.000000e+00 : f32
      %broadcast_in_dim3A_323 = vector.broadcast %broadcast_in_dim3A_322 : f32 to vector<16xf32>
      %broadcast_in_dim3A_324 = arith.constant 0.000000e+00 : f32
      %broadcast_in_dim3A_325 = vector.broadcast %broadcast_in_dim3A_324 : f32 to vector<16xf32>
      %broadcast_in_dim3A_326 = arith.constant 0.000000e+00 : f32
      %broadcast_in_dim3A_327 = vector.broadcast %broadcast_in_dim3A_326 : f32 to vector<16xf32>
      %broadcast_in_dim3A_328 = arith.constant 0.000000e+00 : f32
      %broadcast_in_dim3A_329 = vector.broadcast %broadcast_in_dim3A_328 : f32 to vector<16xf32>
      %broadcast_in_dim3A_330 = arith.constant 0.000000e+00 : f32
      %broadcast_in_dim3A_331 = vector.broadcast %broadcast_in_dim3A_330 : f32 to vector<16xf32>
      %broadcast_in_dim3A_332 = arith.constant 0.000000e+00 : f32
      %broadcast_in_dim3A_333 = vector.broadcast %broadcast_in_dim3A_332 : f32 to vector<16xf32>
      %broadcast_in_dim3A_334 = arith.constant 0.000000e+00 : f32
      %broadcast_in_dim3A_335 = vector.broadcast %broadcast_in_dim3A_334 : f32 to vector<16xf32>
      %broadcast_in_dim3A_336 = arith.constant 0.000000e+00 : f32
      %broadcast_in_dim3A_337 = vector.broadcast %broadcast_in_dim3A_336 : f32 to vector<16xf32>
      %broadcast_in_dim3A_338 = arith.constant 0.000000e+00 : f32
      %broadcast_in_dim3A_339 = vector.broadcast %broadcast_in_dim3A_338 : f32 to vector<16xf32>
      %broadcast_in_dim3A_340 = arith.constant 0.000000e+00 : f32
      %broadcast_in_dim3A_341 = vector.broadcast %broadcast_in_dim3A_340 : f32 to vector<16xf32>
      %broadcast_in_dim3A_342 = arith.constant 0.000000e+00 : f32
      %broadcast_in_dim3A_343 = vector.broadcast %broadcast_in_dim3A_342 : f32 to vector<16xf32>
      %broadcast_in_dim3A_344 = arith.constant 0.000000e+00 : f32
      %broadcast_in_dim3A_345 = vector.broadcast %broadcast_in_dim3A_344 : f32 to vector<16xf32>
      %broadcast_in_dim3A_346 = arith.constant 0.000000e+00 : f32
      %broadcast_in_dim3A_347 = vector.broadcast %broadcast_in_dim3A_346 : f32 to vector<16xf32>
      %scan3A_348 = arith.constant 0 : i32
      %scan3A_349 = arith.constant 50 : i32
      %scan3A_350 = arith.addi %scan3A_348, %scan3A_349 : i32
      %scan3A_351 = arith.constant 1 : i32
      %scan3A_352:16 = scf.for %scan3A_456 = %scan3A_348 to %scan3A_350 step %scan3A_351 iter_args(%scan3A_457 = %broadcast_in_dim3A_317, %scan3A_458 = %broadcast_in_dim3A_319, %scan3A_459 = %broadcast_in_dim3A_321, %scan3A_460 = %broadcast_in_dim3A_323, %scan3A_461 = %broadcast_in_dim3A_325, %scan3A_462 = %broadcast_in_dim3A_327, %scan3A_463 = %broadcast_in_dim3A_329, %scan3A_464 = %broadcast_in_dim3A_331, %scan3A_465 = %broadcast_in_dim3A_333, %scan3A_466 = %broadcast_in_dim3A_335, %scan3A_467 = %broadcast_in_dim3A_337, %scan3A_468 = %broadcast_in_dim3A_339, %scan3A_469 = %broadcast_in_dim3A_341, %scan3A_470 = %broadcast_in_dim3A_343, %scan3A_471 = %broadcast_in_dim3A_345, %scan3A_472 = %broadcast_in_dim3A_347) -> (vector<16xf32>, vector<16xf32>, vector<16xf32>, vector<16xf32>, vector<16xf32>, vector<16xf32>, vector<16xf32>, vector<16xf32>, vector<16xf32>, vector<16xf32>, vector<16xf32>, vector<16xf32>, vector<16xf32>, vector<16xf32>, vector<16xf32>, vector<16xf32>)  : i32 {
        %mul3A_473 = arith.constant 50 : i32
        %mul3A_474 = vector.broadcast %mul3A_473 : i32 to vector<16xi32>
        %mul3A_475 = arith.muli %iota3A, %mul3A_474 : vector<16xi32>
        %add3A_476 = vector.broadcast %scan3A_456 : i32 to vector<16xi32>
        %add3A_477 = arith.addi %mul3A_475, %add3A_476 : vector<16xi32>
        %gather3A = tpu.vector_load_idx %arg8[%add3A_477] : memref<800xf32, #tpu.memory_space<vmem>>[vector<16xi32>], vector<16xf32>,
        %broadcast_in_dim3A_478 = arith.constant 32 : i32
        %broadcast_in_dim3A_479 = vector.broadcast %broadcast_in_dim3A_478 : i32 to vector<16xi32>
        %gather3A_480 = tpu.vector_load_idx %arg7[%add3A_477, %broadcast_in_dim3A_479] : memref<800x64xf32, #tpu.memory_space<vmem>>[vector<16xi32>, vector<16xi32>], vector<16xf32>,
        %mul3A_481 = arith.mulf %gather3A, %gather3A_480 : vector<16xf32>
        %add3A_482 = arith.addf %scan3A_457, %mul3A_481 : vector<16xf32>
        %broadcast_in_dim3A_483 = arith.constant 33 : i32
        %broadcast_in_dim3A_484 = vector.broadcast %broadcast_in_dim3A_483 : i32 to vector<16xi32>
        %gather3A_485 = tpu.vector_load_idx %arg7[%add3A_477, %broadcast_in_dim3A_484] : memref<800x64xf32, #tpu.memory_space<vmem>>[vector<16xi32>, vector<16xi32>], vector<16xf32>,
        %mul3A_486 = arith.mulf %gather3A, %gather3A_485 : vector<16xf32>
        %add3A_487 = arith.addf %scan3A_458, %mul3A_486 : vector<16xf32>
        %broadcast_in_dim3A_488 = arith.constant 34 : i32
        %broadcast_in_dim3A_489 = vector.broadcast %broadcast_in_dim3A_488 : i32 to vector<16xi32>
        %gather3A_490 = tpu.vector_load_idx %arg7[%add3A_477, %broadcast_in_dim3A_489] : memref<800x64xf32, #tpu.memory_space<vmem>>[vector<16xi32>, vector<16xi32>], vector<16xf32>,
        %mul3A_491 = arith.mulf %gather3A, %gather3A_490 : vector<16xf32>
        %add3A_492 = arith.addf %scan3A_459, %mul3A_491 : vector<16xf32>
        %broadcast_in_dim3A_493 = arith.constant 35 : i32
        %broadcast_in_dim3A_494 = vector.broadcast %broadcast_in_dim3A_493 : i32 to vector<16xi32>
        %gather3A_495 = tpu.vector_load_idx %arg7[%add3A_477, %broadcast_in_dim3A_494] : memref<800x64xf32, #tpu.memory_space<vmem>>[vector<16xi32>, vector<16xi32>], vector<16xf32>,
        %mul3A_496 = arith.mulf %gather3A, %gather3A_495 : vector<16xf32>
        %add3A_497 = arith.addf %scan3A_460, %mul3A_496 : vector<16xf32>
        %broadcast_in_dim3A_498 = arith.constant 36 : i32
        %broadcast_in_dim3A_499 = vector.broadcast %broadcast_in_dim3A_498 : i32 to vector<16xi32>
        %gather3A_500 = tpu.vector_load_idx %arg7[%add3A_477, %broadcast_in_dim3A_499] : memref<800x64xf32, #tpu.memory_space<vmem>>[vector<16xi32>, vector<16xi32>], vector<16xf32>,
        %mul3A_501 = arith.mulf %gather3A, %gather3A_500 : vector<16xf32>
        %add3A_502 = arith.addf %scan3A_461, %mul3A_501 : vector<16xf32>
        %broadcast_in_dim3A_503 = arith.constant 37 : i32
        %broadcast_in_dim3A_504 = vector.broadcast %broadcast_in_dim3A_503 : i32 to vector<16xi32>
        %gather3A_505 = tpu.vector_load_idx %arg7[%add3A_477, %broadcast_in_dim3A_504] : memref<800x64xf32, #tpu.memory_space<vmem>>[vector<16xi32>, vector<16xi32>], vector<16xf32>,
        %mul3A_506 = arith.mulf %gather3A, %gather3A_505 : vector<16xf32>
        %add3A_507 = arith.addf %scan3A_462, %mul3A_506 : vector<16xf32>
        %broadcast_in_dim3A_508 = arith.constant 38 : i32
        %broadcast_in_dim3A_509 = vector.broadcast %broadcast_in_dim3A_508 : i32 to vector<16xi32>
        %gather3A_510 = tpu.vector_load_idx %arg7[%add3A_477, %broadcast_in_dim3A_509] : memref<800x64xf32, #tpu.memory_space<vmem>>[vector<16xi32>, vector<16xi32>], vector<16xf32>,
        %mul3A_511 = arith.mulf %gather3A, %gather3A_510 : vector<16xf32>
        %add3A_512 = arith.addf %scan3A_463, %mul3A_511 : vector<16xf32>
        %broadcast_in_dim3A_513 = arith.constant 39 : i32
        %broadcast_in_dim3A_514 = vector.broadcast %broadcast_in_dim3A_513 : i32 to vector<16xi32>
        %gather3A_515 = tpu.vector_load_idx %arg7[%add3A_477, %broadcast_in_dim3A_514] : memref<800x64xf32, #tpu.memory_space<vmem>>[vector<16xi32>, vector<16xi32>], vector<16xf32>,
        %mul3A_516 = arith.mulf %gather3A, %gather3A_515 : vector<16xf32>
        %add3A_517 = arith.addf %scan3A_464, %mul3A_516 : vector<16xf32>
        %broadcast_in_dim3A_518 = arith.constant 40 : i32
        %broadcast_in_dim3A_519 = vector.broadcast %broadcast_in_dim3A_518 : i32 to vector<16xi32>
        %gather3A_520 = tpu.vector_load_idx %arg7[%add3A_477, %broadcast_in_dim3A_519] : memref<800x64xf32, #tpu.memory_space<vmem>>[vector<16xi32>, vector<16xi32>], vector<16xf32>,
        %mul3A_521 = arith.mulf %gather3A, %gather3A_520 : vector<16xf32>
        %add3A_522 = arith.addf %scan3A_465, %mul3A_521 : vector<16xf32>
        %broadcast_in_dim3A_523 = arith.constant 41 : i32
        %broadcast_in_dim3A_524 = vector.broadcast %broadcast_in_dim3A_523 : i32 to vector<16xi32>
        %gather3A_525 = tpu.vector_load_idx %arg7[%add3A_477, %broadcast_in_dim3A_524] : memref<800x64xf32, #tpu.memory_space<vmem>>[vector<16xi32>, vector<16xi32>], vector<16xf32>,
        %mul3A_526 = arith.mulf %gather3A, %gather3A_525 : vector<16xf32>
        %add3A_527 = arith.addf %scan3A_466, %mul3A_526 : vector<16xf32>
        %broadcast_in_dim3A_528 = arith.constant 42 : i32
        %broadcast_in_dim3A_529 = vector.broadcast %broadcast_in_dim3A_528 : i32 to vector<16xi32>
        %gather3A_530 = tpu.vector_load_idx %arg7[%add3A_477, %broadcast_in_dim3A_529] : memref<800x64xf32, #tpu.memory_space<vmem>>[vector<16xi32>, vector<16xi32>], vector<16xf32>,
        %mul3A_531 = arith.mulf %gather3A, %gather3A_530 : vector<16xf32>
        %add3A_532 = arith.addf %scan3A_467, %mul3A_531 : vector<16xf32>
        %broadcast_in_dim3A_533 = arith.constant 43 : i32
        %broadcast_in_dim3A_534 = vector.broadcast %broadcast_in_dim3A_533 : i32 to vector<16xi32>
        %gather3A_535 = tpu.vector_load_idx %arg7[%add3A_477, %broadcast_in_dim3A_534] : memref<800x64xf32, #tpu.memory_space<vmem>>[vector<16xi32>, vector<16xi32>], vector<16xf32>,
        %mul3A_536 = arith.mulf %gather3A, %gather3A_535 : vector<16xf32>
        %add3A_537 = arith.addf %scan3A_468, %mul3A_536 : vector<16xf32>
        %broadcast_in_dim3A_538 = arith.constant 44 : i32
        %broadcast_in_dim3A_539 = vector.broadcast %broadcast_in_dim3A_538 : i32 to vector<16xi32>
        %gather3A_540 = tpu.vector_load_idx %arg7[%add3A_477, %broadcast_in_dim3A_539] : memref<800x64xf32, #tpu.memory_space<vmem>>[vector<16xi32>, vector<16xi32>], vector<16xf32>,
        %mul3A_541 = arith.mulf %gather3A, %gather3A_540 : vector<16xf32>
        %add3A_542 = arith.addf %scan3A_469, %mul3A_541 : vector<16xf32>
        %broadcast_in_dim3A_543 = arith.constant 45 : i32
        %broadcast_in_dim3A_544 = vector.broadcast %broadcast_in_dim3A_543 : i32 to vector<16xi32>
        %gather3A_545 = tpu.vector_load_idx %arg7[%add3A_477, %broadcast_in_dim3A_544] : memref<800x64xf32, #tpu.memory_space<vmem>>[vector<16xi32>, vector<16xi32>], vector<16xf32>,
        %mul3A_546 = arith.mulf %gather3A, %gather3A_545 : vector<16xf32>
        %add3A_547 = arith.addf %scan3A_470, %mul3A_546 : vector<16xf32>
        %broadcast_in_dim3A_548 = arith.constant 46 : i32
        %broadcast_in_dim3A_549 = vector.broadcast %broadcast_in_dim3A_548 : i32 to vector<16xi32>
        %gather3A_550 = tpu.vector_load_idx %arg7[%add3A_477, %broadcast_in_dim3A_549] : memref<800x64xf32, #tpu.memory_space<vmem>>[vector<16xi32>, vector<16xi32>], vector<16xf32>,
        %mul3A_551 = arith.mulf %gather3A, %gather3A_550 : vector<16xf32>
        %add3A_552 = arith.addf %scan3A_471, %mul3A_551 : vector<16xf32>
        %broadcast_in_dim3A_553 = arith.constant 47 : i32
        %broadcast_in_dim3A_554 = vector.broadcast %broadcast_in_dim3A_553 : i32 to vector<16xi32>
        %gather3A_555 = tpu.vector_load_idx %arg7[%add3A_477, %broadcast_in_dim3A_554] : memref<800x64xf32, #tpu.memory_space<vmem>>[vector<16xi32>, vector<16xi32>], vector<16xf32>,
        %mul3A_556 = arith.mulf %gather3A, %gather3A_555 : vector<16xf32>
        %add3A_557 = arith.addf %scan3A_472, %mul3A_556 : vector<16xf32>
        scf.yield %add3A_482, %add3A_487, %add3A_492, %add3A_497, %add3A_502, %add3A_507, %add3A_512, %add3A_517, %add3A_522, %add3A_527, %add3A_532, %add3A_537, %add3A_542, %add3A_547, %add3A_552, %add3A_557 : vector<16xf32>, vector<16xf32>, vector<16xf32>, vector<16xf32>, vector<16xf32>, vector<16xf32>, vector<16xf32>, vector<16xf32>, vector<16xf32>, vector<16xf32>, vector<16xf32>, vector<16xf32>, vector<16xf32>, vector<16xf32>, vector<16xf32>, vector<16xf32>
      }
      %scan3A_353 = arith.constant 50 : i32
      %broadcast_in_dim3A_354 = arith.constant 32 : i32
      %broadcast_in_dim3A_355 = vector.broadcast %broadcast_in_dim3A_354 : i32 to vector<16xi32>
      tpu.vector_store_idx %arg9[%iota3A, %broadcast_in_dim3A_355], %scan3A_352#0 : memref<16x64xf32, #tpu.memory_space<vmem>>[vector<16xi32>, vector<16xi32>], vector<16xf32>,
      %broadcast_in_dim3A_356 = arith.constant 33 : i32
      %broadcast_in_dim3A_357 = vector.broadcast %broadcast_in_dim3A_356 : i32 to vector<16xi32>
      tpu.vector_store_idx %arg9[%iota3A, %broadcast_in_dim3A_357], %scan3A_352#1 : memref<16x64xf32, #tpu.memory_space<vmem>>[vector<16xi32>, vector<16xi32>], vector<16xf32>,
      %broadcast_in_dim3A_358 = arith.constant 34 : i32
      %broadcast_in_dim3A_359 = vector.broadcast %broadcast_in_dim3A_358 : i32 to vector<16xi32>
      tpu.vector_store_idx %arg9[%iota3A, %broadcast_in_dim3A_359], %scan3A_352#2 : memref<16x64xf32, #tpu.memory_space<vmem>>[vector<16xi32>, vector<16xi32>], vector<16xf32>,
      %broadcast_in_dim3A_360 = arith.constant 35 : i32
      %broadcast_in_dim3A_361 = vector.broadcast %broadcast_in_dim3A_360 : i32 to vector<16xi32>
      tpu.vector_store_idx %arg9[%iota3A, %broadcast_in_dim3A_361], %scan3A_352#3 : memref<16x64xf32, #tpu.memory_space<vmem>>[vector<16xi32>, vector<16xi32>], vector<16xf32>,
      %broadcast_in_dim3A_362 = arith.constant 36 : i32
      %broadcast_in_dim3A_363 = vector.broadcast %broadcast_in_dim3A_362 : i32 to vector<16xi32>
      tpu.vector_store_idx %arg9[%iota3A, %broadcast_in_dim3A_363], %scan3A_352#4 : memref<16x64xf32, #tpu.memory_space<vmem>>[vector<16xi32>, vector<16xi32>], vector<16xf32>,
      %broadcast_in_dim3A_364 = arith.constant 37 : i32
      %broadcast_in_dim3A_365 = vector.broadcast %broadcast_in_dim3A_364 : i32 to vector<16xi32>
      tpu.vector_store_idx %arg9[%iota3A, %broadcast_in_dim3A_365], %scan3A_352#5 : memref<16x64xf32, #tpu.memory_space<vmem>>[vector<16xi32>, vector<16xi32>], vector<16xf32>,
      %broadcast_in_dim3A_366 = arith.constant 38 : i32
      %broadcast_in_dim3A_367 = vector.broadcast %broadcast_in_dim3A_366 : i32 to vector<16xi32>
      tpu.vector_store_idx %arg9[%iota3A, %broadcast_in_dim3A_367], %scan3A_352#6 : memref<16x64xf32, #tpu.memory_space<vmem>>[vector<16xi32>, vector<16xi32>], vector<16xf32>,
      %broadcast_in_dim3A_368 = arith.constant 39 : i32
      %broadcast_in_dim3A_369 = vector.broadcast %broadcast_in_dim3A_368 : i32 to vector<16xi32>
      tpu.vector_store_idx %arg9[%iota3A, %broadcast_in_dim3A_369], %scan3A_352#7 : memref<16x64xf32, #tpu.memory_space<vmem>>[vector<16xi32>, vector<16xi32>], vector<16xf32>,
      %broadcast_in_dim3A_370 = arith.constant 40 : i32
      %broadcast_in_dim3A_371 = vector.broadcast %broadcast_in_dim3A_370 : i32 to vector<16xi32>
      tpu.vector_store_idx %arg9[%iota3A, %broadcast_in_dim3A_371], %scan3A_352#8 : memref<16x64xf32, #tpu.memory_space<vmem>>[vector<16xi32>, vector<16xi32>], vector<16xf32>,
      %broadcast_in_dim3A_372 = arith.constant 41 : i32
      %broadcast_in_dim3A_373 = vector.broadcast %broadcast_in_dim3A_372 : i32 to vector<16xi32>
      tpu.vector_store_idx %arg9[%iota3A, %broadcast_in_dim3A_373], %scan3A_352#9 : memref<16x64xf32, #tpu.memory_space<vmem>>[vector<16xi32>, vector<16xi32>], vector<16xf32>,
      %broadcast_in_dim3A_374 = arith.constant 42 : i32
      %broadcast_in_dim3A_375 = vector.broadcast %broadcast_in_dim3A_374 : i32 to vector<16xi32>
      tpu.vector_store_idx %arg9[%iota3A, %broadcast_in_dim3A_375], %scan3A_352#10 : memref<16x64xf32, #tpu.memory_space<vmem>>[vector<16xi32>, vector<16xi32>], vector<16xf32>,
      %broadcast_in_dim3A_376 = arith.constant 43 : i32
      %broadcast_in_dim3A_377 = vector.broadcast %broadcast_in_dim3A_376 : i32 to vector<16xi32>
      tpu.vector_store_idx %arg9[%iota3A, %broadcast_in_dim3A_377], %scan3A_352#11 : memref<16x64xf32, #tpu.memory_space<vmem>>[vector<16xi32>, vector<16xi32>], vector<16xf32>,
      %broadcast_in_dim3A_378 = arith.constant 44 : i32
      %broadcast_in_dim3A_379 = vector.broadcast %broadcast_in_dim3A_378 : i32 to vector<16xi32>
      tpu.vector_store_idx %arg9[%iota3A, %broadcast_in_dim3A_379], %scan3A_352#12 : memref<16x64xf32, #tpu.memory_space<vmem>>[vector<16xi32>, vector<16xi32>], vector<16xf32>,
      %broadcast_in_dim3A_380 = arith.constant 45 : i32
      %broadcast_in_dim3A_381 = vector.broadcast %broadcast_in_dim3A_380 : i32 to vector<16xi32>
      tpu.vector_store_idx %arg9[%iota3A, %broadcast_in_dim3A_381], %scan3A_352#13 : memref<16x64xf32, #tpu.memory_space<vmem>>[vector<16xi32>, vector<16xi32>], vector<16xf32>,
      %broadcast_in_dim3A_382 = arith.constant 46 : i32
      %broadcast_in_dim3A_383 = vector.broadcast %broadcast_in_dim3A_382 : i32 to vector<16xi32>
      tpu.vector_store_idx %arg9[%iota3A, %broadcast_in_dim3A_383], %scan3A_352#14 : memref<16x64xf32, #tpu.memory_space<vmem>>[vector<16xi32>, vector<16xi32>], vector<16xf32>,
      %broadcast_in_dim3A_384 = arith.constant 47 : i32
      %broadcast_in_dim3A_385 = vector.broadcast %broadcast_in_dim3A_384 : i32 to vector<16xi32>
      tpu.vector_store_idx %arg9[%iota3A, %broadcast_in_dim3A_385], %scan3A_352#15 : memref<16x64xf32, #tpu.memory_space<vmem>>[vector<16xi32>, vector<16xi32>], vector<16xf32>,
      %broadcast_in_dim3A_386 = arith.constant 0.000000e+00 : f32
      %broadcast_in_dim3A_387 = vector.broadcast %broadcast_in_dim3A_386 : f32 to vector<16xf32>
      %broadcast_in_dim3A_388 = arith.constant 0.000000e+00 : f32
      %broadcast_in_dim3A_389 = vector.broadcast %broadcast_in_dim3A_388 : f32 to vector<16xf32>
      %broadcast_in_dim3A_390 = arith.constant 0.000000e+00 : f32
      %broadcast_in_dim3A_391 = vector.broadcast %broadcast_in_dim3A_390 : f32 to vector<16xf32>
      %broadcast_in_dim3A_392 = arith.constant 0.000000e+00 : f32
      %broadcast_in_dim3A_393 = vector.broadcast %broadcast_in_dim3A_392 : f32 to vector<16xf32>
      %broadcast_in_dim3A_394 = arith.constant 0.000000e+00 : f32
      %broadcast_in_dim3A_395 = vector.broadcast %broadcast_in_dim3A_394 : f32 to vector<16xf32>
      %broadcast_in_dim3A_396 = arith.constant 0.000000e+00 : f32
      %broadcast_in_dim3A_397 = vector.broadcast %broadcast_in_dim3A_396 : f32 to vector<16xf32>
      %broadcast_in_dim3A_398 = arith.constant 0.000000e+00 : f32
      %broadcast_in_dim3A_399 = vector.broadcast %broadcast_in_dim3A_398 : f32 to vector<16xf32>
      %broadcast_in_dim3A_400 = arith.constant 0.000000e+00 : f32
      %broadcast_in_dim3A_401 = vector.broadcast %broadcast_in_dim3A_400 : f32 to vector<16xf32>
      %broadcast_in_dim3A_402 = arith.constant 0.000000e+00 : f32
      %broadcast_in_dim3A_403 = vector.broadcast %broadcast_in_dim3A_402 : f32 to vector<16xf32>
      %broadcast_in_dim3A_404 = arith.constant 0.000000e+00 : f32
      %broadcast_in_dim3A_405 = vector.broadcast %broadcast_in_dim3A_404 : f32 to vector<16xf32>
      %broadcast_in_dim3A_406 = arith.constant 0.000000e+00 : f32
      %broadcast_in_dim3A_407 = vector.broadcast %broadcast_in_dim3A_406 : f32 to vector<16xf32>
      %broadcast_in_dim3A_408 = arith.constant 0.000000e+00 : f32
      %broadcast_in_dim3A_409 = vector.broadcast %broadcast_in_dim3A_408 : f32 to vector<16xf32>
      %broadcast_in_dim3A_410 = arith.constant 0.000000e+00 : f32
      %broadcast_in_dim3A_411 = vector.broadcast %broadcast_in_dim3A_410 : f32 to vector<16xf32>
      %broadcast_in_dim3A_412 = arith.constant 0.000000e+00 : f32
      %broadcast_in_dim3A_413 = vector.broadcast %broadcast_in_dim3A_412 : f32 to vector<16xf32>
      %broadcast_in_dim3A_414 = arith.constant 0.000000e+00 : f32
      %broadcast_in_dim3A_415 = vector.broadcast %broadcast_in_dim3A_414 : f32 to vector<16xf32>
      %broadcast_in_dim3A_416 = arith.constant 0.000000e+00 : f32
      %broadcast_in_dim3A_417 = vector.broadcast %broadcast_in_dim3A_416 : f32 to vector<16xf32>
      %scan3A_418 = arith.constant 0 : i32
      %scan3A_419 = arith.constant 50 : i32
      %scan3A_420 = arith.addi %scan3A_418, %scan3A_419 : i32
      %scan3A_421 = arith.constant 1 : i32
      %scan3A_422:16 = scf.for %scan3A_456 = %scan3A_418 to %scan3A_420 step %scan3A_421 iter_args(%scan3A_457 = %broadcast_in_dim3A_387, %scan3A_458 = %broadcast_in_dim3A_389, %scan3A_459 = %broadcast_in_dim3A_391, %scan3A_460 = %broadcast_in_dim3A_393, %scan3A_461 = %broadcast_in_dim3A_395, %scan3A_462 = %broadcast_in_dim3A_397, %scan3A_463 = %broadcast_in_dim3A_399, %scan3A_464 = %broadcast_in_dim3A_401, %scan3A_465 = %broadcast_in_dim3A_403, %scan3A_466 = %broadcast_in_dim3A_405, %scan3A_467 = %broadcast_in_dim3A_407, %scan3A_468 = %broadcast_in_dim3A_409, %scan3A_469 = %broadcast_in_dim3A_411, %scan3A_470 = %broadcast_in_dim3A_413, %scan3A_471 = %broadcast_in_dim3A_415, %scan3A_472 = %broadcast_in_dim3A_417) -> (vector<16xf32>, vector<16xf32>, vector<16xf32>, vector<16xf32>, vector<16xf32>, vector<16xf32>, vector<16xf32>, vector<16xf32>, vector<16xf32>, vector<16xf32>, vector<16xf32>, vector<16xf32>, vector<16xf32>, vector<16xf32>, vector<16xf32>, vector<16xf32>)  : i32 {
        %mul3A_473 = arith.constant 50 : i32
        %mul3A_474 = vector.broadcast %mul3A_473 : i32 to vector<16xi32>
        %mul3A_475 = arith.muli %iota3A, %mul3A_474 : vector<16xi32>
        %add3A_476 = vector.broadcast %scan3A_456 : i32 to vector<16xi32>
        %add3A_477 = arith.addi %mul3A_475, %add3A_476 : vector<16xi32>
        %gather3A = tpu.vector_load_idx %arg8[%add3A_477] : memref<800xf32, #tpu.memory_space<vmem>>[vector<16xi32>], vector<16xf32>,
        %broadcast_in_dim3A_478 = arith.constant 48 : i32
        %broadcast_in_dim3A_479 = vector.broadcast %broadcast_in_dim3A_478 : i32 to vector<16xi32>
        %gather3A_480 = tpu.vector_load_idx %arg7[%add3A_477, %broadcast_in_dim3A_479] : memref<800x64xf32, #tpu.memory_space<vmem>>[vector<16xi32>, vector<16xi32>], vector<16xf32>,
        %mul3A_481 = arith.mulf %gather3A, %gather3A_480 : vector<16xf32>
        %add3A_482 = arith.addf %scan3A_457, %mul3A_481 : vector<16xf32>
        %broadcast_in_dim3A_483 = arith.constant 49 : i32
        %broadcast_in_dim3A_484 = vector.broadcast %broadcast_in_dim3A_483 : i32 to vector<16xi32>
        %gather3A_485 = tpu.vector_load_idx %arg7[%add3A_477, %broadcast_in_dim3A_484] : memref<800x64xf32, #tpu.memory_space<vmem>>[vector<16xi32>, vector<16xi32>], vector<16xf32>,
        %mul3A_486 = arith.mulf %gather3A, %gather3A_485 : vector<16xf32>
        %add3A_487 = arith.addf %scan3A_458, %mul3A_486 : vector<16xf32>
        %broadcast_in_dim3A_488 = arith.constant 50 : i32
        %broadcast_in_dim3A_489 = vector.broadcast %broadcast_in_dim3A_488 : i32 to vector<16xi32>
        %gather3A_490 = tpu.vector_load_idx %arg7[%add3A_477, %broadcast_in_dim3A_489] : memref<800x64xf32, #tpu.memory_space<vmem>>[vector<16xi32>, vector<16xi32>], vector<16xf32>,
        %mul3A_491 = arith.mulf %gather3A, %gather3A_490 : vector<16xf32>
        %add3A_492 = arith.addf %scan3A_459, %mul3A_491 : vector<16xf32>
        %broadcast_in_dim3A_493 = arith.constant 51 : i32
        %broadcast_in_dim3A_494 = vector.broadcast %broadcast_in_dim3A_493 : i32 to vector<16xi32>
        %gather3A_495 = tpu.vector_load_idx %arg7[%add3A_477, %broadcast_in_dim3A_494] : memref<800x64xf32, #tpu.memory_space<vmem>>[vector<16xi32>, vector<16xi32>], vector<16xf32>,
        %mul3A_496 = arith.mulf %gather3A, %gather3A_495 : vector<16xf32>
        %add3A_497 = arith.addf %scan3A_460, %mul3A_496 : vector<16xf32>
        %broadcast_in_dim3A_498 = arith.constant 52 : i32
        %broadcast_in_dim3A_499 = vector.broadcast %broadcast_in_dim3A_498 : i32 to vector<16xi32>
        %gather3A_500 = tpu.vector_load_idx %arg7[%add3A_477, %broadcast_in_dim3A_499] : memref<800x64xf32, #tpu.memory_space<vmem>>[vector<16xi32>, vector<16xi32>], vector<16xf32>,
        %mul3A_501 = arith.mulf %gather3A, %gather3A_500 : vector<16xf32>
        %add3A_502 = arith.addf %scan3A_461, %mul3A_501 : vector<16xf32>
        %broadcast_in_dim3A_503 = arith.constant 53 : i32
        %broadcast_in_dim3A_504 = vector.broadcast %broadcast_in_dim3A_503 : i32 to vector<16xi32>
        %gather3A_505 = tpu.vector_load_idx %arg7[%add3A_477, %broadcast_in_dim3A_504] : memref<800x64xf32, #tpu.memory_space<vmem>>[vector<16xi32>, vector<16xi32>], vector<16xf32>,
        %mul3A_506 = arith.mulf %gather3A, %gather3A_505 : vector<16xf32>
        %add3A_507 = arith.addf %scan3A_462, %mul3A_506 : vector<16xf32>
        %broadcast_in_dim3A_508 = arith.constant 54 : i32
        %broadcast_in_dim3A_509 = vector.broadcast %broadcast_in_dim3A_508 : i32 to vector<16xi32>
        %gather3A_510 = tpu.vector_load_idx %arg7[%add3A_477, %broadcast_in_dim3A_509] : memref<800x64xf32, #tpu.memory_space<vmem>>[vector<16xi32>, vector<16xi32>], vector<16xf32>,
        %mul3A_511 = arith.mulf %gather3A, %gather3A_510 : vector<16xf32>
        %add3A_512 = arith.addf %scan3A_463, %mul3A_511 : vector<16xf32>
        %broadcast_in_dim3A_513 = arith.constant 55 : i32
        %broadcast_in_dim3A_514 = vector.broadcast %broadcast_in_dim3A_513 : i32 to vector<16xi32>
        %gather3A_515 = tpu.vector_load_idx %arg7[%add3A_477, %broadcast_in_dim3A_514] : memref<800x64xf32, #tpu.memory_space<vmem>>[vector<16xi32>, vector<16xi32>], vector<16xf32>,
        %mul3A_516 = arith.mulf %gather3A, %gather3A_515 : vector<16xf32>
        %add3A_517 = arith.addf %scan3A_464, %mul3A_516 : vector<16xf32>
        %broadcast_in_dim3A_518 = arith.constant 56 : i32
        %broadcast_in_dim3A_519 = vector.broadcast %broadcast_in_dim3A_518 : i32 to vector<16xi32>
        %gather3A_520 = tpu.vector_load_idx %arg7[%add3A_477, %broadcast_in_dim3A_519] : memref<800x64xf32, #tpu.memory_space<vmem>>[vector<16xi32>, vector<16xi32>], vector<16xf32>,
        %mul3A_521 = arith.mulf %gather3A, %gather3A_520 : vector<16xf32>
        %add3A_522 = arith.addf %scan3A_465, %mul3A_521 : vector<16xf32>
        %broadcast_in_dim3A_523 = arith.constant 57 : i32
        %broadcast_in_dim3A_524 = vector.broadcast %broadcast_in_dim3A_523 : i32 to vector<16xi32>
        %gather3A_525 = tpu.vector_load_idx %arg7[%add3A_477, %broadcast_in_dim3A_524] : memref<800x64xf32, #tpu.memory_space<vmem>>[vector<16xi32>, vector<16xi32>], vector<16xf32>,
        %mul3A_526 = arith.mulf %gather3A, %gather3A_525 : vector<16xf32>
        %add3A_527 = arith.addf %scan3A_466, %mul3A_526 : vector<16xf32>
        %broadcast_in_dim3A_528 = arith.constant 58 : i32
        %broadcast_in_dim3A_529 = vector.broadcast %broadcast_in_dim3A_528 : i32 to vector<16xi32>
        %gather3A_530 = tpu.vector_load_idx %arg7[%add3A_477, %broadcast_in_dim3A_529] : memref<800x64xf32, #tpu.memory_space<vmem>>[vector<16xi32>, vector<16xi32>], vector<16xf32>,
        %mul3A_531 = arith.mulf %gather3A, %gather3A_530 : vector<16xf32>
        %add3A_532 = arith.addf %scan3A_467, %mul3A_531 : vector<16xf32>
        %broadcast_in_dim3A_533 = arith.constant 59 : i32
        %broadcast_in_dim3A_534 = vector.broadcast %broadcast_in_dim3A_533 : i32 to vector<16xi32>
        %gather3A_535 = tpu.vector_load_idx %arg7[%add3A_477, %broadcast_in_dim3A_534] : memref<800x64xf32, #tpu.memory_space<vmem>>[vector<16xi32>, vector<16xi32>], vector<16xf32>,
        %mul3A_536 = arith.mulf %gather3A, %gather3A_535 : vector<16xf32>
        %add3A_537 = arith.addf %scan3A_468, %mul3A_536 : vector<16xf32>
        %broadcast_in_dim3A_538 = arith.constant 60 : i32
        %broadcast_in_dim3A_539 = vector.broadcast %broadcast_in_dim3A_538 : i32 to vector<16xi32>
        %gather3A_540 = tpu.vector_load_idx %arg7[%add3A_477, %broadcast_in_dim3A_539] : memref<800x64xf32, #tpu.memory_space<vmem>>[vector<16xi32>, vector<16xi32>], vector<16xf32>,
        %mul3A_541 = arith.mulf %gather3A, %gather3A_540 : vector<16xf32>
        %add3A_542 = arith.addf %scan3A_469, %mul3A_541 : vector<16xf32>
        %broadcast_in_dim3A_543 = arith.constant 61 : i32
        %broadcast_in_dim3A_544 = vector.broadcast %broadcast_in_dim3A_543 : i32 to vector<16xi32>
        %gather3A_545 = tpu.vector_load_idx %arg7[%add3A_477, %broadcast_in_dim3A_544] : memref<800x64xf32, #tpu.memory_space<vmem>>[vector<16xi32>, vector<16xi32>], vector<16xf32>,
        %mul3A_546 = arith.mulf %gather3A, %gather3A_545 : vector<16xf32>
        %add3A_547 = arith.addf %scan3A_470, %mul3A_546 : vector<16xf32>
        %broadcast_in_dim3A_548 = arith.constant 62 : i32
        %broadcast_in_dim3A_549 = vector.broadcast %broadcast_in_dim3A_548 : i32 to vector<16xi32>
        %gather3A_550 = tpu.vector_load_idx %arg7[%add3A_477, %broadcast_in_dim3A_549] : memref<800x64xf32, #tpu.memory_space<vmem>>[vector<16xi32>, vector<16xi32>], vector<16xf32>,
        %mul3A_551 = arith.mulf %gather3A, %gather3A_550 : vector<16xf32>
        %add3A_552 = arith.addf %scan3A_471, %mul3A_551 : vector<16xf32>
        %broadcast_in_dim3A_553 = arith.constant 63 : i32
        %broadcast_in_dim3A_554 = vector.broadcast %broadcast_in_dim3A_553 : i32 to vector<16xi32>
        %gather3A_555 = tpu.vector_load_idx %arg7[%add3A_477, %broadcast_in_dim3A_554] : memref<800x64xf32, #tpu.memory_space<vmem>>[vector<16xi32>, vector<16xi32>], vector<16xf32>,
        %mul3A_556 = arith.mulf %gather3A, %gather3A_555 : vector<16xf32>
        %add3A_557 = arith.addf %scan3A_472, %mul3A_556 : vector<16xf32>
        scf.yield %add3A_482, %add3A_487, %add3A_492, %add3A_497, %add3A_502, %add3A_507, %add3A_512, %add3A_517, %add3A_522, %add3A_527, %add3A_532, %add3A_537, %add3A_542, %add3A_547, %add3A_552, %add3A_557 : vector<16xf32>, vector<16xf32>, vector<16xf32>, vector<16xf32>, vector<16xf32>, vector<16xf32>, vector<16xf32>, vector<16xf32>, vector<16xf32>, vector<16xf32>, vector<16xf32>, vector<16xf32>, vector<16xf32>, vector<16xf32>, vector<16xf32>, vector<16xf32>
      }
      %scan3A_423 = arith.constant 50 : i32
      %broadcast_in_dim3A_424 = arith.constant 48 : i32
      %broadcast_in_dim3A_425 = vector.broadcast %broadcast_in_dim3A_424 : i32 to vector<16xi32>
      tpu.vector_store_idx %arg9[%iota3A, %broadcast_in_dim3A_425], %scan3A_422#0 : memref<16x64xf32, #tpu.memory_space<vmem>>[vector<16xi32>, vector<16xi32>], vector<16xf32>,
      %broadcast_in_dim3A_426 = arith.constant 49 : i32
      %broadcast_in_dim3A_427 = vector.broadcast %broadcast_in_dim3A_426 : i32 to vector<16xi32>
      tpu.vector_store_idx %arg9[%iota3A, %broadcast_in_dim3A_427], %scan3A_422#1 : memref<16x64xf32, #tpu.memory_space<vmem>>[vector<16xi32>, vector<16xi32>], vector<16xf32>,
      %broadcast_in_dim3A_428 = arith.constant 50 : i32
      %broadcast_in_dim3A_429 = vector.broadcast %broadcast_in_dim3A_428 : i32 to vector<16xi32>
      tpu.vector_store_idx %arg9[%iota3A, %broadcast_in_dim3A_429], %scan3A_422#2 : memref<16x64xf32, #tpu.memory_space<vmem>>[vector<16xi32>, vector<16xi32>], vector<16xf32>,
      %broadcast_in_dim3A_430 = arith.constant 51 : i32
      %broadcast_in_dim3A_431 = vector.broadcast %broadcast_in_dim3A_430 : i32 to vector<16xi32>
      tpu.vector_store_idx %arg9[%iota3A, %broadcast_in_dim3A_431], %scan3A_422#3 : memref<16x64xf32, #tpu.memory_space<vmem>>[vector<16xi32>, vector<16xi32>], vector<16xf32>,
      %broadcast_in_dim3A_432 = arith.constant 52 : i32
      %broadcast_in_dim3A_433 = vector.broadcast %broadcast_in_dim3A_432 : i32 to vector<16xi32>
      tpu.vector_store_idx %arg9[%iota3A, %broadcast_in_dim3A_433], %scan3A_422#4 : memref<16x64xf32, #tpu.memory_space<vmem>>[vector<16xi32>, vector<16xi32>], vector<16xf32>,
      %broadcast_in_dim3A_434 = arith.constant 53 : i32
      %broadcast_in_dim3A_435 = vector.broadcast %broadcast_in_dim3A_434 : i32 to vector<16xi32>
      tpu.vector_store_idx %arg9[%iota3A, %broadcast_in_dim3A_435], %scan3A_422#5 : memref<16x64xf32, #tpu.memory_space<vmem>>[vector<16xi32>, vector<16xi32>], vector<16xf32>,
      %broadcast_in_dim3A_436 = arith.constant 54 : i32
      %broadcast_in_dim3A_437 = vector.broadcast %broadcast_in_dim3A_436 : i32 to vector<16xi32>
      tpu.vector_store_idx %arg9[%iota3A, %broadcast_in_dim3A_437], %scan3A_422#6 : memref<16x64xf32, #tpu.memory_space<vmem>>[vector<16xi32>, vector<16xi32>], vector<16xf32>,
      %broadcast_in_dim3A_438 = arith.constant 55 : i32
      %broadcast_in_dim3A_439 = vector.broadcast %broadcast_in_dim3A_438 : i32 to vector<16xi32>
      tpu.vector_store_idx %arg9[%iota3A, %broadcast_in_dim3A_439], %scan3A_422#7 : memref<16x64xf32, #tpu.memory_space<vmem>>[vector<16xi32>, vector<16xi32>], vector<16xf32>,
      %broadcast_in_dim3A_440 = arith.constant 56 : i32
      %broadcast_in_dim3A_441 = vector.broadcast %broadcast_in_dim3A_440 : i32 to vector<16xi32>
      tpu.vector_store_idx %arg9[%iota3A, %broadcast_in_dim3A_441], %scan3A_422#8 : memref<16x64xf32, #tpu.memory_space<vmem>>[vector<16xi32>, vector<16xi32>], vector<16xf32>,
      %broadcast_in_dim3A_442 = arith.constant 57 : i32
      %broadcast_in_dim3A_443 = vector.broadcast %broadcast_in_dim3A_442 : i32 to vector<16xi32>
      tpu.vector_store_idx %arg9[%iota3A, %broadcast_in_dim3A_443], %scan3A_422#9 : memref<16x64xf32, #tpu.memory_space<vmem>>[vector<16xi32>, vector<16xi32>], vector<16xf32>,
      %broadcast_in_dim3A_444 = arith.constant 58 : i32
      %broadcast_in_dim3A_445 = vector.broadcast %broadcast_in_dim3A_444 : i32 to vector<16xi32>
      tpu.vector_store_idx %arg9[%iota3A, %broadcast_in_dim3A_445], %scan3A_422#10 : memref<16x64xf32, #tpu.memory_space<vmem>>[vector<16xi32>, vector<16xi32>], vector<16xf32>,
      %broadcast_in_dim3A_446 = arith.constant 59 : i32
      %broadcast_in_dim3A_447 = vector.broadcast %broadcast_in_dim3A_446 : i32 to vector<16xi32>
      tpu.vector_store_idx %arg9[%iota3A, %broadcast_in_dim3A_447], %scan3A_422#11 : memref<16x64xf32, #tpu.memory_space<vmem>>[vector<16xi32>, vector<16xi32>], vector<16xf32>,
      %broadcast_in_dim3A_448 = arith.constant 60 : i32
      %broadcast_in_dim3A_449 = vector.broadcast %broadcast_in_dim3A_448 : i32 to vector<16xi32>
      tpu.vector_store_idx %arg9[%iota3A, %broadcast_in_dim3A_449], %scan3A_422#12 : memref<16x64xf32, #tpu.memory_space<vmem>>[vector<16xi32>, vector<16xi32>], vector<16xf32>,
      %broadcast_in_dim3A_450 = arith.constant 61 : i32
      %broadcast_in_dim3A_451 = vector.broadcast %broadcast_in_dim3A_450 : i32 to vector<16xi32>
      tpu.vector_store_idx %arg9[%iota3A, %broadcast_in_dim3A_451], %scan3A_422#13 : memref<16x64xf32, #tpu.memory_space<vmem>>[vector<16xi32>, vector<16xi32>], vector<16xf32>,
      %broadcast_in_dim3A_452 = arith.constant 62 : i32
      %broadcast_in_dim3A_453 = vector.broadcast %broadcast_in_dim3A_452 : i32 to vector<16xi32>
      tpu.vector_store_idx %arg9[%iota3A, %broadcast_in_dim3A_453], %scan3A_422#14 : memref<16x64xf32, #tpu.memory_space<vmem>>[vector<16xi32>, vector<16xi32>], vector<16xf32>,
      %broadcast_in_dim3A_454 = arith.constant 63 : i32
      %broadcast_in_dim3A_455 = vector.broadcast %broadcast_in_dim3A_454 : i32 to vector<16xi32>
      tpu.vector_store_idx %arg9[%iota3A, %broadcast_in_dim3A_455], %scan3A_422#15 : memref<16x64xf32, #tpu.memory_space<vmem>>[vector<16xi32>, vector<16xi32>], vector<16xf32>,
      "tpu.region"() ({
        %run_scoped3A = tpu.sem_alloc : memref<!tpu.dma_semaphore, #tpu.memory_space<semaphore_mem>>
        %dma_start3A_456 = arith.constant 0 : i32
        %dma_start3A_457 = tpu.memref_slice %arg5[%add3A_11, %dma_start3A_456] : memref<4096x64xf32, #tpu.memory_space<hbm>> -> memref<16x64xf32, #tpu.memory_space<hbm>>
        %dma_start3A_458 = arith.constant 0 : i32
        %dma_start3A_459 = tpu.memref_slice %arg5[%add3A_11, %dma_start3A_458] : memref<4096x64xf32, #tpu.memory_space<hbm>> -> memref<16x64xf32, #tpu.memory_space<hbm>>
        tpu.enqueue_dma source(%arg9 : memref<16x64xf32, #tpu.memory_space<vmem>>) target(%dma_start3A_459 : memref<16x64xf32, #tpu.memory_space<hbm>>) target_semaphore(%run_scoped3A : memref<!tpu.dma_semaphore, #tpu.memory_space<semaphore_mem>>)
        %dma_wait3A_460 = arith.constant 0 : i32
        %dma_wait3A_461 = tpu.memref_slice %arg5[%add3A_11, %dma_wait3A_460] : memref<4096x64xf32, #tpu.memory_space<hbm>> -> memref<16x64xf32, #tpu.memory_space<hbm>>
        %dma_wait3A_462 = arith.constant 0 : i32
        %dma_wait3A_463 = tpu.memref_slice %arg5[%add3A_11, %dma_wait3A_462] : memref<4096x64xf32, #tpu.memory_space<hbm>> -> memref<16x64xf32, #tpu.memory_space<hbm>>
        tpu.wait_dma2 semaphore(%run_scoped3A : memref<!tpu.dma_semaphore, #tpu.memory_space<semaphore_mem>>) src(%arg9 : memref<16x64xf32, #tpu.memory_space<vmem>>) dst(%dma_wait3A_463 : memref<16x64xf32, #tpu.memory_space<hbm>>)
        tpu.yield
      }) : () -> ()
    }
    %scan3A_5 = arith.constant 8 : i32
    return
  }
}

</mosaic_0001>

<sc_bundles>
// kernel: kernel.3.cloned.1.call-start
scs
__scs_entry_jumppad:
0x0: {  	(pc) =	sbr.rel $0x88, $3  }
0x1: {  	(tag) =	ssettag $0x0;
	lr =	simm.s32 $0x1  }
0x2: {  	[smem:$0x3F9E] =	sst lr;
	_ =	strace $0xD0000000  }
0x3: {  	_ = 	snop  }
0x4: {  	_ = 	snop  }
0x5: {  	_ = 	snop  }
0x6: {  	_ = 	snop  }
0x7: {  	_ = 	snop  }
__scs_overlays_trampoline_lowered:
0x8: {  	[smem:$0x3FAD] =	sst s0  }
0x9: {  	[smem:$0x3FAE] =	sst s1  }
0xa: {  	[smem:$0x3FAF] =	sst s2  }
0xb: {  	[smem:$0x3FB0] =	sst s3  }
0xc: {  	[smem:$0x3FB1] =	sst s4  }
0xd: {  	[smem:$0x3FB2] =	sst s5  }
0xe: {  	[smem:$0x3FB3] =	sst s6  }
0xf: {  	[smem:$0x3FB4] =	sst s7  }
0x10: {  	[smem:$0x3FB5] =	sst s8  }
0x11: {  	[smem:$0x3FB6] =	sst s9;
	s0 =	simm.s32 @!p0 $0x0  }
0x12: {  	s1 =	sld [smem:$0x3F9C];
	s0 =	simm.s32 @p0 $0x1  }
0x13: {  	[smem:$0x3FB7] =	sst s0;
	s0 =	simm.s32 @!p1 $0x0  }
0x14: {  	s2 =	sld [smem:$0x3F9B];
	s0 =	simm.s32 @p1 $0x1  }
0x15: {  	[smem:$0x3FB8] =	sst s0;
	s0 =	simm.s32 @!p2 $0x0  }
0x16: {  	s3 =	sld [smem:$0x3FDB];
	s0 =	simm.s32 @p2 $0x1  }
0x17: {  	s4 =	simm.s32 $0x1BF5;
	[smem:$0x3FBA] =	sst s0  }
0x18: {  	s0 =	sld [smem:$0x3F9D];
	_ =	swait.ge [sflag:s4], $0x0  }
0x19: {  	s7 =	sld [smem:$0x3F9E]  }
0x1a: {  	s8 =	sadd.s32 $0xFFFFE003, lr  }
0x1b: {  	s9 =	sadd.s32 $0xFFFFFEF7, lr;
	s5 =	simm.s32 $0xFFFFFFFF;
	p2 =	slt.u32 s8, $0xFFFFF086  }
0x1c: {  	p1 =	slt.u32 s9, $0xF7A;
	s5 =	simm.s32 @!p2 $0x0  }
0x1d: {  	s5 =	simm.s32 @p1 $0x1;
	p0 =	seq.s32 s7, s2  }
0x1e: {  	s7 =	smul.u32 @!p0 $0xF7A, s2;
	p2 =	seq.s32 @!p0 s5, $0x0  }
0x1f: {  	s9 =	smul.u32 $0xF7A, s1;
	s8 =	simm.s32 @!p0 $0x1BF5;
	p2 =	por !p2, p0  }
0x20: {  	[sflag:s8] =	ssyncset.s32 @!p0 $0xFFFFF086;
	s6 =	sadd.s32 @!p0 s3, s7;
	s7 =	simm.s32 @!p0 $0x108  }
0x21: {  	s3 =	sadd.s32 s3, s9;
	s6 =	sadd.s32 @!p0 $0x88, s6;
	s7 =	simm.s32 @p2 $0x1082  }
0x22: {  	[simem:s7], [sflag:s8] =	dma.local @!p0 [hbm:s6], $0xF7A  }
0x23: {  	s9 =	sor.u32 $0xD0000000, s2;
	s6 =	simm.s32 $0x108;
	_ =	swait.ge @!p0 [sflag:s8], $0x0  }
0x24: {  	s3 =	sadd.s32 $0x88, s3;
	s6 =	simm.s32 @!p1 $0x1082;
	[sflag:s4] =	ssyncset.s32 $0xFFFFF086  }
0x25: {  	[simem:s6], [sflag:s4] =	dma.local [hbm:s3], $0xF7A  }
0x26: {  	[smem:$0x3F9E] =	sst s1;
	(tag) =	ssettag s2;
	_ =	strace s9  }
0x27: {  	s1 =	sld [smem:$0x3FAE]  }
0x28: {  	s2 =	sld [smem:$0x3FAF]  }
0x29: {  	s4 =	sld [smem:$0x3FB1]  }
0x2a: {  	p0 =	seq.s32 s5, $0x0;
	s5 =	sld [smem:$0x3FB2]  }
0x2b: {  	s6 =	sld [smem:$0x3FB3]  }
0x2c: {  	s7 =	sld [smem:$0x3FB4]  }
0x2d: {  	s3 =	simm.s32 $0x108;
	s8 =	sld [smem:$0x3FB5]  }
0x2e: {  	s3 =	simm.s32 @!p0 $0x1082;
	s9 =	sld [smem:$0x3FB6]  }
0x2f: {  	lr =	sadd.s32 s0, s3;
	s0 =	sld [smem:$0x3FAD]  }
0x30: {  	s3 =	sld [smem:$0x3FB0]  }
0x31: {  	[smem:$0x3FB9] =	sst s10  }
0x32: {  	s10 =	sld [smem:$0x3FB7];
	_ =	sdelay $0x3  }
0x33: {  	p0 =	seq.s32 s10, $0x1;
	s10 =	sld [smem:$0x3FB9];
	_ =	sdelay $0x3  }
0x34: {  	[smem:$0x3FB9] =	sst s10  }
0x35: {  	s10 =	sld [smem:$0x3FB8];
	_ =	sdelay $0x3  }
0x36: {  	p1 =	seq.s32 s10, $0x1;
	s10 =	sld [smem:$0x3FB9];
	_ =	sdelay $0x3  }
0x37: {  	[smem:$0x3FB9] =	sst s10  }
0x38: {  	s10 =	sld [smem:$0x3FBA]  }
0x39: {  	_ = 	snop;
	(pc) =	sbr.ind lr, $3  }
0x3a: {  	_ = 	snop  }
0x3b: {  	_ = 	snop  }
0x3c: {  	p2 =	seq.s32 s10, $0x1;
	s10 =	sld [smem:$0x3FB9]  }
0x3d: {  	_ =	shalt  }
0x3e: {  	_ =	shalt  }
0x3f: {  	_ =	shalt  }
0x40: {  	_ =	shalt  }
0x41: {  	_ =	shalt  }
0x42: {  	_ =	shalt  }
0x43: {  	_ =	shalt  }
0x44: {  	_ =	shalt  }
0x45: {  	_ =	shalt  }
0x46: {  	_ =	shalt  }
0x47: {  	_ =	shalt  }
0x48: {  	_ =	shalt  }
0x49: {  	_ =	shalt  }
0x4a: {  	_ =	shalt  }
0x4b: {  	_ =	shalt  }
0x4c: {  	_ =	shalt  }
0x4d: {  	_ =	shalt  }
0x4e: {  	_ =	shalt  }
0x4f: {  	_ =	shalt  }
0x50: {  	_ =	shalt  }
0x51: {  	_ =	shalt  }
0x52: {  	_ =	shalt  }
0x53: {  	_ =	shalt  }
0x54: {  	_ =	shalt  }
0x55: {  	_ =	shalt  }
0x56: {  	_ =	shalt  }
0x57: {  	_ =	shalt  }
0x58: {  	_ =	shalt  }
0x59: {  	_ =	shalt  }
0x5a: {  	_ =	shalt  }
0x5b: {  	_ =	shalt  }
0x5c: {  	_ =	shalt  }
0x5d: {  	_ =	shalt  }
0x5e: {  	_ =	shalt  }
0x5f: {  	_ =	shalt  }
0x60: {  	_ =	shalt  }
0x61: {  	_ =	shalt  }
0x62: {  	_ =	shalt  }
0x63: {  	_ =	shalt  }
0x64: {  	_ =	shalt  }
0x65: {  	_ =	shalt  }
0x66: {  	_ =	shalt  }
0x67: {  	_ =	shalt  }
0x68: {  	_ =	shalt  }
0x69: {  	_ =	shalt  }
0x6a: {  	_ =	shalt  }
0x6b: {  	_ =	shalt  }
0x6c: {  	_ =	shalt  }
0x6d: {  	_ =	shalt  }
0x6e: {  	_ =	shalt  }
0x6f: {  	_ =	shalt  }
0x70: {  	_ =	shalt  }
0x71: {  	_ =	shalt  }
0x72: {  	_ =	shalt  }
0x73: {  	_ =	shalt  }
0x74: {  	_ =	shalt  }
0x75: {  	_ =	shalt  }
0x76: {  	_ =	shalt  }
0x77: {  	_ =	shalt  }
0x78: {  	_ =	shalt  }
0x79: {  	_ =	shalt  }
0x7a: {  	_ =	shalt  }
0x7b: {  	_ =	shalt  }
0x7c: {  	_ =	shalt  }
0x7d: {  	_ =	shalt  }
0x7e: {  	_ =	shalt  }
0x7f: {  	_ =	shalt  }
0x80: {  	_ =	shalt  }
0x81: {  	_ =	shalt  }
0x82: {  	_ =	shalt  }
0x83: {  	_ =	shalt  }
0x84: {  	_ =	shalt  }
0x85: {  	_ =	shalt  }
0x86: {  	_ =	shalt  }
0x87: {  	_ =	shalt  }
.Lfunc_end0:
.L_simem_size_0:
called_computation_lowered:
.L_overlay_start_0:
0x88: {  	s2 =	sld [smem:$0x3FD9]  }
0x89: {  	s3 =	sld [smem:$0x3FFE];
	_ =	sdelay $0x1  }
0x8a: {  	s1 =	srdreg.scid  }
0x8b: {  	s0 =	sand.u32 $0x1, s1  }
0x8c: {  	s17 =	sshll.u32 s0, $0xA;
	s2 =	sadd.s32 s3, s2  }
0x8d: {  	s2 =	sadd.s32 s2, s17  }
0x8e: {  	[smem:$0x3FC5] =	sst s2  }
0x8f: {  	_ = 	snop  }
0x90: {  	s2 =	sld [smem:$0x3FD0];
	(tm) =	ssettm $0x1  }
0x91: {  	s18 =	sld [smem:$0x3FFB];
	_ =	sdelay $0x3  }
0x92: {  	_ =	strace s18  }
0x93: {  	s3 =	sld [smem:$0x3FFC];
	_ =	sdelay $0x3  }
0x94: {  	_ =	strace s3  }
0x95: {  	s3 =	sld [smem:$0x3FFD];
	_ =	sdelay $0x3  }
0x96: {  	_ =	strace s3  }
0x97: {  	_ =	strace $0x8FFFFFFF  }
0x98: {  	s19 =	sld [smem:$0x3FDB];
	_ =	sdelay $0x1  }
0x99: {  	s4 =	simm.s32 $_scs_section_size  }
0x9a: {  	s5 =	simm.s32 $_size__tile_overlayer_lowered;
	s6 =	simm.s32 $_tile_overlayer_lowered  }
0x9b: {  	s22 =	simm.s32 $0x1BFF;
	s21 =	sshll.u32 s6, $0x1;
	s3 =	sadd.s32 s4, s19  }
0x9c: {  	s7 =	simm.s32 $0x0;
	s20 =	sshll.u32 s5, $0x1;
	s5 =	sadd.s32 s21, s3  }
0x9d: {  	[timem:s7], [sflag:s22] =	dma.local [hbm:s5], s20  }
0x9e: {  	_ =	swait.ge [sflag:s22], s20  }
0x9f: {  	s4 =	ssub.s32 $0x0, s20;
	[sflag:s22] =	ssyncset.done $0x0  }
0xa0: {  	[sflag:s22] =	ssyncadd.s32 s4;
	_ =	sdelay $0x1  }
0xa1: {  	s23 =	simm.s32 $0x1B8B  }
0xa2: {  	_ =	swait.ge [sflag:s23], $0x1  }
0xa3: {  	[sflag:s23] =	ssyncset.done $0x0  }
0xa4: {  	s25 =	simm.s32 $0x1B8E;
	s24 =	sld [smem:$0x3FFE];
	[sflag:s23] =	ssyncadd.s32 $0xFFFFFFFF  }
0xa5: {  	s26 =	simm.s32 $execute0_lowered;
	[smem:$0x3FD2] =	sst s25  }
0xa6: {  	s5 =	sshll.u32 s26, $0x1;
	_ =	strace $0x80000046;
	[dreg:$0x1] =	wrdreg $0xFFFFFFFF  }
0xa7: {  	s28 =	simm.s32 $_size_execute0_lowered;
	s3 =	sadd.s32 s3, s5;
	[dreg:$0x0] =	wrdreg $0x0  }
0xa8: {  	s5 =	sshll.u32 s28, $0x1;
	[dreg:$0x2] =	wrdreg s3  }
0xa9: {  	[dreg:$0x3] =	wrdreg s5  }
0xaa: {  	[dreg:$0x4] =	wrdreg $0xC0  }
0xab: {  	_ =	task [dreg:s7], $0x5FFFF  }
0xac: {  	[dreg:$0x1] =	wrdreg $0xFFFFFFFF  }
0xad: {  	[dreg:$0x0] =	wrdreg $0x60  }
0xae: {  	[dreg:$0x2] =	wrdreg s24  }
0xaf: {  	[dreg:$0x3] =	wrdreg s2  }
0xb0: {  	[dreg:$0x4] =	wrdreg $0x9  }
0xb1: {  	_ =	task.clear_ibuf [dreg:s7], $0x5FFFF;
	_ =	strace $0x90000046  }
0xb2: {  	s29 =	simm.s32 $0x9;
	_ =	strace $0x80000048  }
0xb3: {  	_ =	swait.ge [sflag:s29], $0x1  }
0xb4: {  	[sflag:s29] =	ssyncadd.s32 $0xFFFFFFFF  }
0xb5: {  	_ =	strace $0x90000048  }
0xb6: {  	_ =	sfence  }
0xb7: {  	s30 =	sld [smem:$0x0];
	_ =	sdelay $0x2  }
0xb8: {  	s31 =	sshll.u32 s1, $0xD;
	s1 =	sshrl.u32 s1, $0x2  }
0xb9: {  	s3 =	sand.u32 $0x4000, s31;
	s1 =	sadd.s32 s1, s30  }
0xba: {  	s0 =	sor.u32 s3, s0;
	s1 =	sshll.u32 s1, $0x11  }
0xbb: {  	s0 =	sor.u32 s1, s0  }
0xbc: {  	s0 =	sadd.s32 $0x8F2B, s0  }
0xbd: {  	[sflag:s0] =	ssyncadd.remote.s32 $0x1  }
0xbe: {  	_ =	sfence.sel $0xFFFF  }
0xbf: {  	[dreg:$0x0] =	wrdreg $0xFFFFFFFF;
	(pc) =	sbr.abs _section_cstart, $3  }
0xc0: {  	[dreg:$0x1] =	wrdreg $0xFFFFFFFF  }
0xc1: {  	_ =	task.clear_ibuf [dreg:s7], $0x2FFFF;
	_ =	strace $0x9FFFFFFF  }
0xc2: {  	(tm) =	ssettm $0x7FFFFFFF  }
0xc3: {  	_ =	shalt  }
tec
execute0_lowered:
.L_overlay_start_1:
0x0: {  	(tag) =	ssettag $0x1  }
0x1: {  	v1 =	vlaneseq.u32  }
0x2: {  	v0 =	vmul.u32 $0x40, v1  }
0x3: {  	s0 =	rddreg [dreg:$0x0];
	s2 =	simm.s32 $0x0  }
0x4: {  	[smem:$0x7FF] =	sst s2;
	v2 =	vor.u32 $0x1, v0  }
0x5: {  	s1 =	rddreg [dreg:$0x1];
	_ =	strace $0x80000047;
	[tilespmem:$0x1FED0] =	vst v2;
	v2 =	vor.u32 $0x2, v0  }
0x6: {  	[tilespmem:$0x1FEE0] =	vst v2;
	v2 =	vor.u32 $0x3, v0  }
0x7: {  	[tilespmem:$0x1FEF0] =	vst v2;
	v2 =	vor.u32 $0x4, v0  }
0x8: {  	[tilespmem:$0x1FF00] =	vst v2;
	v2 =	vor.u32 $0x5, v0  }
0x9: {  	[tilespmem:$0x1FF10] =	vst v2;
	v2 =	vor.u32 $0x6, v0  }
0xa: {  	[tilespmem:$0x1FF20] =	vst v2;
	v2 =	vor.u32 $0x7, v0  }
0xb: {  	[tilespmem:$0x1FF30] =	vst v2;
	v2 =	vor.u32 $0x8, v0  }
0xc: {  	s3 =	srdreg.scid;
	s6 =	stileid.u32;
	s11 =	simm.s32 $0x64;
	[tilespmem:$0x1FF40] =	vst v2;
	v2 =	vor.u32 $0x9, v0  }
0xd: {  	s12 =	simm.s32 $0x340;
	s13 =	simm.s32 $0x68;
	s14 =	simm.s32 $0x1C40;
	[tilespmem:$0x1FF50] =	vst v2;
	v2 =	vor.u32 $0xA, v0  }
0xe: {  	s15 =	simm.s32 $0xD0;
	s16 =	simm.s32 $0x3540;
	s17 =	simm.s32 $0x138;
	[tilespmem:$0x1FF60] =	vst v2;
	v2 =	vor.u32 $0xB, v0  }
0xf: {  	s18 =	simm.s32 $0x4E40;
	s19 =	simm.s32 $0x1A0;
	s20 =	simm.s32 $0x6740;
	[tilespmem:$0x1FF70] =	vst v2;
	v2 =	vor.u32 $0xC, v0  }
0x10: {  	s21 =	simm.s32 $0x208;
	s22 =	simm.s32 $0x8040;
	s23 =	simm.s32 $0x270;
	v1 =	vmul.u32 $0x32, v1;
	[tilespmem:$0x1FF80] =	vst v2;
	v2 =	vor.u32 $0xD, v0  }
0x11: {  	s10 =	simm.s32 $0x2;
	s24 =	simm.s32 $0x9940;
	s25 =	simm.s32 $0x2D8;
	v21 =	vor.u32 $0x14, v0;
	v22 =	vor.u32 $0x15, v0;
	[tilespmem:$0x1FF90] =	vst v2;
	v2 =	vor.u32 $0xE, v0  }
0x12: {  	s26 =	simm.s32 $0xB240;
	s28 =	simm.s32 $0xCB40;
	s3 =	sand.u32 $0x1, s3;
	v23 =	vor.u32 $0x16, v0;
	v24 =	vor.u32 $0x17, v0;
	[tilespmem:$0x1FFA0] =	vst v2;
	v2 =	vor.u32 $0xF, v0  }
0x13: {  	s29 =	simm.s32 $0x1;
	s30 =	simm.s32 $0xCE60;
	s7 =	ssub.s32 $0x2, s3;
	v25 =	vor.u32 $0x18, v0;
	v26 =	vor.u32 $0x19, v0;
	[tilespmem:$0x1FFB0] =	vst v2;
	v2 =	vor.u32 $0x10, v0  }
0x14: {  	s4 =	sadd.s32 $0x800, s0;
	s9 =	sshll.u32 s6, $0x1;
	s8 =	sshrl.u32 s7, $0x1;
	v27 =	vor.u32 $0x1A, v0;
	v28 =	vor.u32 $0x1B, v0;
	[tilespmem:$0x1FFC0] =	vst v2;
	v2 =	vor.u32 $0x11, v0  }
0x15: {  	s5 =	sadd.s32 $0x7000, s0;
	s3 =	sor.u32 s3, s9;
	v29 =	vor.u32 $0x1C, v0;
	v30 =	vor.u32 $0x1D, v0;
	s31 =	ssub.s32 s7, s8;
	[tilespmem:$0x1FFD0] =	vst v2;
	v2 =	vor.u32 $0x12, v0  }
0x16: {  	s6 =	sadd.s32 $0xF42C00, s0;
	v31 =	vor.u32 $0x1E, v0;
	v32 =	vor.u32 $0x1F, v0;
	s7 =	sshll.u32 s3, $0x7;
	s0 =	smax.u32 s31, $0x1;
	[tilespmem:$0x1FFE0] =	vst v2;
	v2 =	vor.u32 $0x13, v0  }
0x17: {  	v33 =	vor.u32 $0x20, v0;
	v34 =	vor.u32 $0x21, v0;
	v35 =	vor.u32 $0x22, v0;
	s8 =	sshll.u32 s3, $0x6;
	s3 =	simm.s32 $0x0;
	[dreg:$0x3] =	wrdreg s0;
	[tilespmem:$0x1FFF0] =	vst v2  }
.LBB2_1:
0x18: {  	[dreg:$0x4] =	wrdreg s3;
	s0 =	simm.s32 $0x0  }
.LBB2_2:
0x19: {  	s3 =	sshll.u32 s0, $0x3  }
0x1a: {  	s3 =	sadd.s32 s8, s3  }
0x1b: {  	s3 =	smul.u32 $0xD, s3;
	_ =	sdelay $0x1  }
0x1c: {  	s9 =	simm.s32 $0x0;
	s3 =	sadd.s32 s4, s3  }
0x1d: {  	[tilespmem:s9], [sflag:$0x2] =	stream.linear.gather [hbm4b:s3+s9], $0x340, $0x38;
	[tilespmem:$0xD260] =	vst v63  }
0x1e: {  	_ =	swait.ge [sflag:s10], $0x340  }
0x1f: {  	[sflag:s10] =	ssyncset.done $0x0  }
0x20: {  	[sflag:s10] =	ssyncadd.s32 $0xFFFFFCC0  }
0x21: {  	[tilespmem:s12], [sflag:$0x1] =	stream.indirect.gather [hbm4b:s6+s11], $0x40, s9, s11, $0xb8;
	[tilespmem:$0xD260] =	vst v63  }
0x22: {  	_ = 	snop  }
0x23: {  	[tilespmem:s14], [sflag:$0x1] =	stream.indirect.gather [hbm4b:s6+s11], $0x40, s13, s11, $0xb8;
	[tilespmem:$0xD260] =	vst v63  }
0x24: {  	_ = 	snop  }
0x25: {  	[tilespmem:s16], [sflag:$0x1] =	stream.indirect.gather [hbm4b:s6+s11], $0x40, s15, s11, $0xb8;
	[tilespmem:$0xD260] =	vst v63  }
0x26: {  	_ = 	snop  }
0x27: {  	[tilespmem:s18], [sflag:$0x1] =	stream.indirect.gather [hbm4b:s6+s11], $0x40, s17, s11, $0xb8;
	[tilespmem:$0xD260] =	vst v63  }
0x28: {  	s31 =	sshll.u32 s0, $0x4  }
0x29: {  	[tilespmem:s20], [sflag:$0x1] =	stream.indirect.gather [hbm4b:s6+s11], $0x40, s19, s11, $0xb8;
	[tilespmem:$0xD260] =	vst v63  }
0x2a: {  	s3 =	sadd.s32 s7, s31  }
0x2b: {  	[tilespmem:s22], [sflag:$0x1] =	stream.indirect.gather [hbm4b:s6+s11], $0x40, s21, s11, $0xb8;
	[tilespmem:$0xD260] =	vst v63  }
0x2c: {  	s31 =	smul.u32 $0x32, s3  }
0x2d: {  	[tilespmem:s24], [sflag:$0x1] =	stream.indirect.gather [hbm4b:s6+s11], $0x40, s23, s11, $0xb8;
	[tilespmem:$0xD260] =	vst v63  }
0x2e: {  	s31 =	sshrl.u32 s31, $0x3  }
0x2f: {  	[tilespmem:s26], [sflag:$0x1] =	stream.indirect.gather [hbm4b:s6+s11], $0x40, s25, s11, $0xb8;
	[tilespmem:$0xD260] =	vst v63  }
0x30: {  	s31 =	sadd.s32 s5, s31  }
0x31: {  	[tilespmem:s28], [sflag:$0x2] =	stream.linear.gather [hbm4b:s31+s9], $0x320, $0x38;
	[tilespmem:$0xD260] =	vst v63  }
0x32: {  	_ =	swait.ge [sflag:s10], $0x320  }
0x33: {  	[sflag:s10] =	ssyncset.done $0x0  }
0x34: {  	[sflag:s10] =	ssyncadd.s32 $0xFFFFFCE0  }
0x35: {  	_ =	swait.ge [sflag:s29], $0x1900  }
0x36: {  	[sflag:s29] =	ssyncset.done $0x0  }
0x37: {  	[sflag:s29] =	ssyncadd.s32 $0xFFFFE700  }
0x38: {  	_ =	swait.ge [sflag:s29], $0x1900  }
0x39: {  	[sflag:s29] =	ssyncset.done $0x0  }
0x3a: {  	[sflag:s29] =	ssyncadd.s32 $0xFFFFE700  }
0x3b: {  	_ =	swait.ge [sflag:s29], $0x1900  }
0x3c: {  	[sflag:s29] =	ssyncset.done $0x0  }
0x3d: {  	[sflag:s29] =	ssyncadd.s32 $0xFFFFE700  }
0x3e: {  	_ =	swait.ge [sflag:s29], $0x1900  }
0x3f: {  	[sflag:s29] =	ssyncset.done $0x0  }
0x40: {  	[sflag:s29] =	ssyncadd.s32 $0xFFFFE700  }
0x41: {  	_ =	swait.ge [sflag:s29], $0x1900  }
0x42: {  	[sflag:s29] =	ssyncset.done $0x0  }
0x43: {  	[sflag:s29] =	ssyncadd.s32 $0xFFFFE700  }
0x44: {  	_ =	swait.ge [sflag:s29], $0x1900  }
0x45: {  	[sflag:s29] =	ssyncset.done $0x0  }
0x46: {  	[sflag:s29] =	ssyncadd.s32 $0xFFFFE700  }
0x47: {  	v2 =	vadd.s32 s9, v1;
	_ =	swait.ge [sflag:s29], $0x1900  }
0x48: {  	v41 =	vshll.u32 v2, $0x6;
	[sflag:s29] =	ssyncset.done $0x0  }
0x49: {  	v3 =	vor.u32 $0xF, v41;
	[sflag:s29] =	ssyncadd.s32 $0xFFFFE700  }
0x4a: {  	v4 =	vor.u32 $0x1, v41;
	_ =	swait.ge [sflag:s29], $0x1900  }
0x4b: {  	v36 =	vor.u32 $0x2, v41;
	[sflag:s29] =	ssyncset.done $0x0  }
0x4c: {  	v38 =	vor.u32 $0x3, v41;
	[sflag:s29] =	ssyncadd.s32 $0xFFFFE700  }
0x4d: {  	v39 =	vor.u32 $0x4, v41;
	v37 =	vld.idx.msk [tilespmem:v2+s28+$0x0], $0xffff  }
0x4e: {  	v42 =	vor.u32 $0x6, v41;
	v2 =	vld.idx.msk [tilespmem:v3+s12+$0x0], $0xffff  }
0x4f: {  	v43 =	vor.u32 $0x7, v41;
	v3 =	vld.idx.msk [tilespmem:v4+s12+$0x0], $0xffff  }
0x50: {  	v47 =	vimm.f32 $0.0e+00;
	v53 =	vimm.f32 $0.0e+00;
	v61 =	vor.u32 $0x5, v41;
	v4 =	vld.idx.msk [tilespmem:v36+s12+$0x0], $0xffff  }
0x51: {  	v52 =	vimm.f32 $0.0e+00;
	v50 =	vimm.f32 $0.0e+00;
	v44 =	vor.u32 $0x8, v41;
	v40 =	vld.idx.msk [tilespmem:v38+s12+$0x0], $0xffff  }
0x52: {  	v49 =	vimm.f32 $0.0e+00;
	v48 =	vimm.f32 $0.0e+00;
	v46 =	vor.u32 $0x9, v41;
	v45 =	vld.idx.msk [tilespmem:v39+s12+$0x0], $0xffff  }
0x53: {  	v51 =	vor.u32 $0xA, v41;
	v59 =	vor.u32 $0xB, v41;
	v58 =	vor.u32 $0xC, v41;
	v55 =	vld.idx.msk [tilespmem:v42+s12+$0x0], $0xffff  }
0x54: {  	v56 =	vor.u32 $0xD, v41;
	v54 =	vor.u32 $0xE, v41;
	v57 =	vld.idx.msk [tilespmem:v43+s12+$0x0], $0xffff;
	v42 =	vimm.f32 $0.0e+00  }
0x55: {  	v43 =	vimm.f32 $0.0e+00;
	v62 =	vmul.f32 v2, v37;
	v3 =	vmul.f32 v3, v37;
	v2 =	vld.idx.msk [tilespmem:v61+s12+$0x0], $0xffff  }
0x56: {  	v60 =	vld.idx.msk [tilespmem:v44+s12+$0x0], $0xffff;
	v44 =	vimm.f32 $0.0e+00;
	v63 =	vmul.f32 v4, v37;
	v4 =	vmul.f32 v40, v37  }
0x57: {  	s31 =	simm.s32 $0x1;
	v61 =	vld.idx.msk [tilespmem:v46+s12+$0x0], $0xffff;
	v46 =	vimm.f32 $0.0e+00;
	v40 =	vimm.f32 $0.0e+00;
	v36 =	vadd.f32 v62, v47  }
0x58: {  	v38 =	vadd.f32 v3, v47;
	v3 =	vadd.s32 s31, v1;
	v39 =	vadd.f32 v63, v47  }
0x59: {  	s9 =	simm.s32 $0x2;
	v63 =	vmul.f32 v45, v37;
	v45 =	vimm.f32 $0.0e+00;
	v62 =	vld.idx.msk [tilespmem:v51+s12+$0x0], $0xffff;
	v51 =	vimm.f32 $0.0e+00  }
.LBB2_3:
0x5a: {  	p0 =	sne.s32 s9, $0x31;
	v5 =	vshll.u32 v3, $0x6;
	v47 =	vadd.f32 v4, v47;
	v2 =	vmul.f32 v2, v37;
	v4 =	vld.idx.msk [tilespmem:v59+s12+$0x0], $0xffff  }
0x5b: {  	v6 =	vor.u32 $0x1, v5;
	v7 =	vor.u32 $0x2, v5;
	v8 =	vor.u32 $0xF, v5;
	v9 =	vld.idx.msk [tilespmem:v58+s12+$0x0], $0xffff  }
0x5c: {  	v10 =	vor.u32 $0x3, v5;
	v11 =	vor.u32 $0x4, v5;
	v12 =	vor.u32 $0x5, v5;
	v13 =	vld.idx.msk [tilespmem:v56+s12+$0x0], $0xffff  }
0x5d: {  	v14 =	vor.u32 $0x6, v5;
	v15 =	vor.u32 $0x7, v5;
	v16 =	vor.u32 $0x8, v5;
	v17 =	vld.idx.msk [tilespmem:v54+s12+$0x0], $0xffff  }
0x5e: {  	v18 =	vor.u32 $0x9, v5;
	v19 =	vor.u32 $0xA, v5;
	v59 =	vor.u32 $0xB, v5;
	v20 =	vld.idx.msk [tilespmem:v41+s12+$0x0], $0xffff;
	v41 =	vmovc v5  }
0x5f: {  	v3 =	vld.idx.msk [tilespmem:v3+s28+$0x0], $0xffff;
	v58 =	vor.u32 $0xC, v41;
	v56 =	vor.u32 $0xD, v41;
	v54 =	vor.u32 $0xE, v41  }
0x60: {  	v53 =	vadd.f32 v63, v53;
	v5 =	vld.idx.msk [tilespmem:v8+s12+$0x0], $0xffff;
	v8 =	vmul.f32 v55, v37;
	v55 =	vmul.f32 v57, v37  }
0x61: {  	v52 =	vadd.f32 v2, v52;
	v2 =	vmul.f32 v60, v37;
	v57 =	vmul.f32 v61, v37;
	v6 =	vld.idx.msk [tilespmem:v6+s12+$0x0], $0xffff  }
0x62: {  	v4 =	vmul.f32 v4, v37;
	v7 =	vld.idx.msk [tilespmem:v7+s12+$0x0], $0xffff;
	v50 =	vadd.f32 v8, v50;
	v8 =	vmul.f32 v62, v37  }
0x63: {  	v9 =	vmul.f32 v9, v37;
	v13 =	vmul.f32 v13, v37;
	v49 =	vadd.f32 v55, v49;
	v10 =	vld.idx.msk [tilespmem:v10+s12+$0x0], $0xffff  }
0x64: {  	v48 =	vadd.f32 v2, v48;
	v17 =	vmul.f32 v17, v37;
	v20 =	vmul.f32 v20, v37;
	v11 =	vld.idx.msk [tilespmem:v11+s12+$0x0], $0xffff  }
0x65: {  	v45 =	vadd.f32 v57, v45;
	v46 =	vadd.f32 v8, v46;
	v37 =	vmov v3;
	v2 =	vld.idx.msk [tilespmem:v12+s12+$0x0], $0xffff  }
.Ltmp0:
0x66: {  	v42 =	vadd.f32 v4, v42;
	v43 =	vadd.f32 v9, v43;
	v3 =	vmul.f32 v5, v37;
	v55 =	vld.idx.msk [tilespmem:v14+s12+$0x0], $0xffff;
	(pc) =	sbr.rel @p0 .LBB2_3-.Ltmp0, $4  }
0x67: {  	v44 =	vadd.f32 v13, v44;
	v40 =	vadd.f32 v17, v40;
	v4 =	vmul.f32 v6, v37;
	v57 =	vld.idx.msk [tilespmem:v15+s12+$0x0], $0xffff  }
0x68: {  	v51 =	vadd.f32 v20, v51;
	v5 =	vmul.f32 v7, v37;
	v36 =	vadd.f32 v3, v36;
	v60 =	vld.idx.msk [tilespmem:v16+s12+$0x0], $0xffff  }
0x69: {  	v38 =	vadd.f32 v4, v38;
	v4 =	vmul.f32 v10, v37;
	v61 =	vld.idx.msk [tilespmem:v18+s12+$0x0], $0xffff  }
0x6a: {  	v3 =	vadd.s32 s9, v1;
	s9 =	sadd.s32 $0x1, s9;
	v39 =	vadd.f32 v5, v39;
	v63 =	vmul.f32 v11, v37;
	v62 =	vld.idx.msk [tilespmem:v19+s12+$0x0], $0xffff  }
0x6b: {  	_ =	sdelay $0x3  }
0x6c: {  	v6 =	vld.idx.msk [tilespmem:v59+s12+$0x0], $0xffff  }
0x6d: {  	v5 =	vshll.u32 v3, $0x6;
	v8 =	vld.idx.msk [tilespmem:v58+s12+$0x0], $0xffff;
	v4 =	vadd.f32 v4, v47  }
0x6e: {  	v10 =	vld.idx.msk [tilespmem:v56+s12+$0x0], $0xffff;
	v7 =	vor.u32 $0xF, v5;
	v9 =	vor.u32 $0x1, v5;
	v11 =	vor.u32 $0x2, v5  }
0x6f: {  	v12 =	vld.idx.msk [tilespmem:v54+s12+$0x0], $0xffff;
	v13 =	vor.u32 $0x3, v5;
	v15 =	vor.u32 $0x4, v5;
	v16 =	vor.u32 $0x5, v5  }
0x70: {  	v14 =	vld.idx.msk [tilespmem:v41+s12+$0x0], $0xffff;
	v17 =	vor.u32 $0x6, v5;
	v18 =	vor.u32 $0x7, v5;
	v19 =	vor.u32 $0x8, v5  }
0x71: {  	v3 =	vld.idx.msk [tilespmem:v3+s28+$0x0], $0xffff;
	v20 =	vor.u32 $0x9, v5;
	v41 =	vor.u32 $0xA, v5;
	v47 =	vor.u32 $0xB, v5  }
0x72: {  	v54 =	vor.u32 $0xC, v5;
	v56 =	vor.u32 $0xD, v5;
	v58 =	vor.u32 $0xE, v5;
	v5 =	vld.idx.msk [tilespmem:v5+s12+$0x0], $0xffff  }
0x73: {  	v7 =	vld.idx.msk [tilespmem:v7+s12+$0x0], $0xffff  }
0x74: {  	v9 =	vld.idx.msk [tilespmem:v9+s12+$0x0], $0xffff  }
0x75: {  	v11 =	vld.idx.msk [tilespmem:v11+s12+$0x0], $0xffff  }
0x76: {  	v13 =	vld.idx.msk [tilespmem:v13+s12+$0x0], $0xffff  }
0x77: {  	v15 =	vld.idx.msk [tilespmem:v15+s12+$0x0], $0xffff  }
0x78: {  	v16 =	vld.idx.msk [tilespmem:v16+s12+$0x0], $0xffff  }
0x79: {  	v17 =	vld.idx.msk [tilespmem:v17+s12+$0x0], $0xffff  }
0x7a: {  	v18 =	vld.idx.msk [tilespmem:v18+s12+$0x0], $0xffff  }
0x7b: {  	v59 =	vmul.f32 v60, v37;
	v19 =	vld.idx.msk [tilespmem:v19+s12+$0x0], $0xffff  }
0x7c: {  	v60 =	vmul.f32 v62, v37;
	v14 =	vmul.f32 v14, v37;
	v20 =	vld.idx.msk [tilespmem:v20+s12+$0x0], $0xffff  }
0x7d: {  	v2 =	vmul.f32 v2, v37;
	v48 =	vadd.f32 v59, v48;
	v41 =	vld.idx.msk [tilespmem:v41+s12+$0x0], $0xffff  }
0x7e: {  	v59 =	vadd.f32 v60, v46;
	v60 =	vld.idx.msk [tilespmem:v47+s12+$0x0], $0xffff;
	v14 =	vadd.f32 v14, v51;
	v5 =	vmul.f32 v5, v3  }
0x7f: {  	v2 =	vadd.f32 v2, v52;
	v52 =	vmul.f32 v61, v37;
	v61 =	vld.idx.msk [tilespmem:v54+s12+$0x0], $0xffff  }
0x80: {  	v62 =	vld.idx.msk [tilespmem:v56+s12+$0x0], $0xffff;
	v9 =	vmul.f32 v9, v3;
	v5 =	vadd.f32 v5, v14  }
0x81: {  	v53 =	vadd.f32 v63, v53;
	v10 =	vmul.f32 v10, v37;
	v63 =	vld.idx.msk [tilespmem:v58+s12+$0x0], $0xffff  }
0x82: {  	v9 =	vadd.f32 v9, v38;
	v38 =	vld [tilespmem:$0x1FED0];
	[tilespmem:v0+s30+$0x0] =	vst.idx.msk $0xffff, v5;
	v5 =	vmul.f32 v16, v3  }
0x83: {  	v10 =	vadd.f32 v10, v44;
	v44 =	vld [tilespmem:$0x1FEE0]  }
0x84: {  	v2 =	vadd.f32 v5, v2;
	v5 =	vld [tilespmem:$0x1FEF0];
	_ =	sdelay $0x1  }
0x85: {  	v55 =	vmul.f32 v55, v37  }
0x86: {  	v12 =	vmul.f32 v12, v37;
	v11 =	vmul.f32 v11, v3  }
0x87: {  	v50 =	vadd.f32 v55, v50;
	v13 =	vmul.f32 v13, v3  }
0x88: {  	v12 =	vadd.f32 v12, v40;
	v11 =	vadd.f32 v11, v39  }
0x89: {  	v40 =	vmul.f32 v17, v3;
	v4 =	vadd.f32 v13, v4;
	[tilespmem:v38+s30+$0x0] =	vst.idx.msk $0xffff, v9  }
0x8a: {  	v57 =	vmul.f32 v57, v37;
	[tilespmem:v44+s30+$0x0] =	vst.idx.msk $0xffff, v11  }
0x8b: {  	v15 =	vmul.f32 v15, v3;
	[tilespmem:v5+s30+$0x0] =	vst.idx.msk $0xffff, v4;
	v5 =	vadd.f32 v40, v50;
	v50 =	vld [tilespmem:$0x1FF00]  }
0x8c: {  	v49 =	vadd.f32 v57, v49;
	v57 =	vadd.f32 v52, v45;
	v52 =	vld [tilespmem:$0x1FF10]  }
0x8d: {  	v39 =	vadd.f32 v15, v53;
	v53 =	vld [tilespmem:$0x1FF20];
	_ =	sdelay $0x5  }
0x8e: {  	v6 =	vmul.f32 v6, v37;
	[tilespmem:v50+s30+$0x0] =	vst.idx.msk $0xffff, v39  }
0x8f: {  	[tilespmem:v52+s30+$0x0] =	vst.idx.msk $0xffff, v2  }
0x90: {  	v54 =	vld [tilespmem:$0x1FF30];
	v6 =	vadd.f32 v6, v42;
	[tilespmem:v53+s30+$0x0] =	vst.idx.msk $0xffff, v5;
	v5 =	vmul.f32 v60, v3  }
0x91: {  	v56 =	vld [tilespmem:$0x1FF40]  }
0x92: {  	v5 =	vadd.f32 v5, v6;
	v6 =	vld [tilespmem:$0x1FF50];
	_ =	sdelay $0x1  }
0x93: {  	v47 =	vmul.f32 v18, v3  }
0x94: {  	v4 =	vmul.f32 v19, v3  }
0x95: {  	v51 =	vmul.f32 v20, v3;
	v11 =	vadd.f32 v47, v49  }
0x96: {  	v4 =	vadd.f32 v4, v48  }
0x97: {  	v55 =	vmul.f32 v61, v3;
	v9 =	vadd.f32 v51, v57;
	[tilespmem:v54+s30+$0x0] =	vst.idx.msk $0xffff, v11  }
0x98: {  	v57 =	vld [tilespmem:$0x1FF60];
	v2 =	vmul.f32 v41, v3;
	[tilespmem:v56+s30+$0x0] =	vst.idx.msk $0xffff, v4;
	v4 =	vmul.f32 v62, v3  }
0x99: {  	[tilespmem:v6+s30+$0x0] =	vst.idx.msk $0xffff, v9;
	v6 =	vmul.f32 v63, v3;
	v3 =	vmul.f32 v7, v3;
	v7 =	vld [tilespmem:$0x1FF70];
	_ =	sdelay $0x4  }
0x9a: {  	v2 =	vadd.f32 v2, v59;
	_ =	sdelay $0x1  }
0x9b: {  	[tilespmem:v57+s30+$0x0] =	vst.idx.msk $0xffff, v2  }
0x9c: {  	[tilespmem:v7+s30+$0x0] =	vst.idx.msk $0xffff, v5;
	v7 =	vld [tilespmem:$0x1FF80]  }
0x9d: {  	v58 =	vld [tilespmem:$0x1FF90]  }
0x9e: {  	v8 =	vmul.f32 v8, v37;
	v59 =	vld [tilespmem:$0x1FFA0]  }
0x9f: {  	v60 =	vld [tilespmem:$0x1FFB0]  }
0xa0: {  	v8 =	vadd.f32 v8, v43  }
0xa1: {  	s9 =	simm.s32 $0x0  }
0xa2: {  	v8 =	vadd.f32 v55, v8;
	v2 =	vadd.s32 s9, v1  }
0xa3: {  	v4 =	vadd.f32 v4, v10;
	v5 =	vshll.u32 v2, $0x6  }
0xa4: {  	v6 =	vadd.f32 v6, v12;
	v61 =	vor.u32 $0x13, v5;
	[tilespmem:v7+s30+$0x0] =	vst.idx.msk $0xffff, v8  }
0xa5: {  	v3 =	vadd.f32 v3, v36;
	v7 =	vor.u32 $0x1F, v5;
	[tilespmem:v58+s30+$0x0] =	vst.idx.msk $0xffff, v4  }
0xa6: {  	v4 =	vor.u32 $0x10, v5;
	[tilespmem:v59+s30+$0x0] =	vst.idx.msk $0xffff, v6  }
0xa7: {  	v6 =	vor.u32 $0x11, v5;
	[tilespmem:v60+s30+$0x0] =	vst.idx.msk $0xffff, v3  }
0xa8: {  	v3 =	vor.u32 $0x12, v5;
	v37 =	vld.idx.msk [tilespmem:v2+s28+$0x0], $0xffff  }
0xa9: {  	v45 =	vimm.f32 $0.0e+00;
	v46 =	vimm.f32 $0.0e+00;
	v62 =	vor.u32 $0x15, v5;
	v8 =	vld.idx.msk [tilespmem:v61+s12+$0x0], $0xffff  }
0xaa: {  	v43 =	vimm.f32 $0.0e+00;
	v42 =	vimm.f32 $0.0e+00;
	v2 =	vld.idx.msk [tilespmem:v7+s12+$0x0], $0xffff;
	v7 =	vor.u32 $0x14, v5  }
0xab: {  	v51 =	vimm.f32 $0.0e+00;
	v49 =	vimm.f32 $0.0e+00;
	v16 =	vor.u32 $0x16, v5;
	v4 =	vld.idx.msk [tilespmem:v4+s12+$0x0], $0xffff  }
0xac: {  	v44 =	vimm.f32 $0.0e+00;
	v47 =	vimm.f32 $0.0e+00;
	v17 =	vor.u32 $0x17, v5;
	v6 =	vld.idx.msk [tilespmem:v6+s12+$0x0], $0xffff  }
0xad: {  	v40 =	vimm.f32 $0.0e+00;
	v48 =	vimm.f32 $0.0e+00;
	v18 =	vor.u32 $0x18, v5;
	v3 =	vld.idx.msk [tilespmem:v3+s12+$0x0], $0xffff  }
0xae: {  	v50 =	vimm.f32 $0.0e+00;
	v52 =	vimm.f32 $0.0e+00;
	v19 =	vor.u32 $0x19, v5;
	v55 =	vld.idx.msk [tilespmem:v62+s12+$0x0], $0xffff  }
0xaf: {  	v41 =	vimm.f32 $0.0e+00;
	v59 =	vor.u32 $0x1A, v5;
	v63 =	vmul.f32 v2, v37;
	v2 =	vld.idx.msk [tilespmem:v7+s12+$0x0], $0xffff  }
0xb0: {  	v57 =	vor.u32 $0x1B, v5;
	v56 =	vor.u32 $0x1C, v5;
	v58 =	vld.idx.msk [tilespmem:v16+s12+$0x0], $0xffff;
	v4 =	vmul.f32 v4, v37  }
0xb1: {  	v54 =	vor.u32 $0x1D, v5;
	v53 =	vor.u32 $0x1E, v5;
	v60 =	vld.idx.msk [tilespmem:v17+s12+$0x0], $0xffff;
	v5 =	vmul.f32 v6, v37  }
0xb2: {  	s31 =	simm.s32 $0x1;
	v61 =	vld.idx.msk [tilespmem:v18+s12+$0x0], $0xffff;
	v62 =	vmul.f32 v8, v37;
	v38 =	vadd.f32 v4, v43;
	v4 =	vmul.f32 v3, v37  }
0xb3: {  	s9 =	simm.s32 $0x2;
	v36 =	vadd.f32 v63, v43;
	v63 =	vld.idx.msk [tilespmem:v19+s12+$0x0], $0xffff;
	v3 =	vadd.s32 s31, v1;
	v39 =	vadd.f32 v5, v43  }
.LBB2_5:
0xb4: {  	p0 =	sne.s32 s9, $0x31;
	v5 =	vshll.u32 v3, $0x6;
	v43 =	vadd.f32 v4, v43;
	v2 =	vmul.f32 v2, v37;
	v4 =	vld.idx.msk [tilespmem:v59+s12+$0x0], $0xffff  }
0xb5: {  	v6 =	vor.u32 $0x10, v5;
	v7 =	vor.u32 $0x11, v5;
	v8 =	vor.u32 $0x1F, v5;
	v9 =	vld.idx.msk [tilespmem:v57+s12+$0x0], $0xffff  }
0xb6: {  	v10 =	vor.u32 $0x12, v5;
	v11 =	vor.u32 $0x13, v5;
	v12 =	vor.u32 $0x14, v5;
	v13 =	vld.idx.msk [tilespmem:v56+s12+$0x0], $0xffff  }
0xb7: {  	v14 =	vor.u32 $0x15, v5;
	v15 =	vor.u32 $0x16, v5;
	v16 =	vor.u32 $0x17, v5;
	v17 =	vld.idx.msk [tilespmem:v54+s12+$0x0], $0xffff  }
0xb8: {  	v18 =	vor.u32 $0x18, v5;
	v19 =	vor.u32 $0x19, v5;
	v59 =	vor.u32 $0x1A, v5;
	v20 =	vld.idx.msk [tilespmem:v53+s12+$0x0], $0xffff  }
0xb9: {  	v57 =	vor.u32 $0x1B, v5;
	v56 =	vor.u32 $0x1C, v5;
	v54 =	vor.u32 $0x1D, v5;
	v3 =	vld.idx.msk [tilespmem:v3+s28+$0x0], $0xffff  }
0xba: {  	v53 =	vor.u32 $0x1E, v5;
	v5 =	vld.idx.msk [tilespmem:v8+s12+$0x0], $0xffff;
	v8 =	vmul.f32 v55, v37;
	v55 =	vmul.f32 v58, v37  }
0xbb: {  	v52 =	vadd.f32 v62, v52;
	v58 =	vmul.f32 v60, v37;
	v60 =	vmul.f32 v61, v37;
	v6 =	vld.idx.msk [tilespmem:v6+s12+$0x0], $0xffff  }
0xbc: {  	v51 =	vadd.f32 v2, v51;
	v4 =	vmul.f32 v4, v37;
	v61 =	vmul.f32 v63, v37;
	v7 =	vld.idx.msk [tilespmem:v7+s12+$0x0], $0xffff  }
0xbd: {  	v50 =	vadd.f32 v8, v50;
	v8 =	vmul.f32 v9, v37;
	v9 =	vmul.f32 v13, v37;
	v10 =	vld.idx.msk [tilespmem:v10+s12+$0x0], $0xffff  }
0xbe: {  	v49 =	vadd.f32 v55, v49;
	v13 =	vmul.f32 v17, v37;
	v17 =	vmul.f32 v20, v37;
	v11 =	vld.idx.msk [tilespmem:v11+s12+$0x0], $0xffff  }
0xbf: {  	v44 =	vadd.f32 v58, v44;
	v45 =	vadd.f32 v60, v45;
	v37 =	vmov v3;
	v2 =	vld.idx.msk [tilespmem:v12+s12+$0x0], $0xffff  }
.Ltmp1:
0xc0: {  	v47 =	vadd.f32 v4, v47;
	v46 =	vadd.f32 v61, v46;
	v3 =	vmul.f32 v5, v37;
	v55 =	vld.idx.msk [tilespmem:v14+s12+$0x0], $0xffff;
	(pc) =	sbr.rel @p0 .LBB2_5-.Ltmp1, $4  }
0xc1: {  	v41 =	vadd.f32 v8, v41;
	v48 =	vadd.f32 v9, v48;
	v4 =	vmul.f32 v6, v37;
	v58 =	vld.idx.msk [tilespmem:v15+s12+$0x0], $0xffff  }
0xc2: {  	v42 =	vadd.f32 v13, v42;
	v5 =	vmul.f32 v7, v37;
	v36 =	vadd.f32 v3, v36;
	v60 =	vld.idx.msk [tilespmem:v16+s12+$0x0], $0xffff  }
0xc3: {  	v40 =	vadd.f32 v17, v40;
	v38 =	vadd.f32 v4, v38;
	v4 =	vmul.f32 v10, v37;
	v61 =	vld.idx.msk [tilespmem:v18+s12+$0x0], $0xffff  }
0xc4: {  	v3 =	vadd.s32 s9, v1;
	s9 =	sadd.s32 $0x1, s9;
	v39 =	vadd.f32 v5, v39;
	v62 =	vmul.f32 v11, v37;
	v63 =	vld.idx.msk [tilespmem:v19+s12+$0x0], $0xffff  }
0xc5: {  	_ =	sdelay $0x3  }
0xc6: {  	v6 =	vld.idx.msk [tilespmem:v59+s12+$0x0], $0xffff  }
0xc7: {  	v5 =	vshll.u32 v3, $0x6;
	v8 =	vld.idx.msk [tilespmem:v57+s12+$0x0], $0xffff  }
0xc8: {  	v10 =	vld.idx.msk [tilespmem:v56+s12+$0x0], $0xffff;
	v7 =	vor.u32 $0x1F, v5  }
0xc9: {  	v12 =	vld.idx.msk [tilespmem:v54+s12+$0x0], $0xffff;
	v9 =	vor.u32 $0x10, v5  }
0xca: {  	v14 =	vld.idx.msk [tilespmem:v53+s12+$0x0], $0xffff;
	v2 =	vmul.f32 v2, v37;
	v11 =	vor.u32 $0x11, v5  }
0xcb: {  	v3 =	vld.idx.msk [tilespmem:v3+s28+$0x0], $0xffff;
	v13 =	vor.u32 $0x12, v5  }
0xcc: {  	v15 =	vor.u32 $0x13, v5;
	v2 =	vadd.f32 v2, v51;
	v51 =	vld [tilespmem:$0x1FFC0]  }
0xcd: {  	v16 =	vor.u32 $0x14, v5;
	v7 =	vld.idx.msk [tilespmem:v7+s12+$0x0], $0xffff  }
0xce: {  	v17 =	vor.u32 $0x15, v5;
	v9 =	vld.idx.msk [tilespmem:v9+s12+$0x0], $0xffff  }
0xcf: {  	v18 =	vor.u32 $0x16, v5;
	v11 =	vld.idx.msk [tilespmem:v11+s12+$0x0], $0xffff  }
0xd0: {  	v54 =	vor.u32 $0x1B, v5;
	v13 =	vld.idx.msk [tilespmem:v13+s12+$0x0], $0xffff  }
0xd1: {  	v56 =	vor.u32 $0x1C, v5;
	v15 =	vld.idx.msk [tilespmem:v15+s12+$0x0], $0xffff  }
0xd2: {  	v16 =	vld.idx.msk [tilespmem:v16+s12+$0x0], $0xffff  }
0xd3: {  	v4 =	vadd.f32 v4, v43;
	v17 =	vld.idx.msk [tilespmem:v17+s12+$0x0], $0xffff  }
0xd4: {  	v55 =	vmul.f32 v55, v37;
	v57 =	vor.u32 $0x1D, v5;
	v63 =	vmul.f32 v63, v37;
	v18 =	vld.idx.msk [tilespmem:v18+s12+$0x0], $0xffff  }
0xd5: {  	v19 =	vor.u32 $0x17, v5;
	v20 =	vor.u32 $0x18, v5;
	v52 =	vadd.f32 v62, v52;
	v62 =	vld.idx.msk [tilespmem:v54+s12+$0x0], $0xffff  }
0xd6: {  	v43 =	vor.u32 $0x19, v5;
	v53 =	vor.u32 $0x1A, v5;
	v46 =	vadd.f32 v63, v46;
	v63 =	vld.idx.msk [tilespmem:v56+s12+$0x0], $0xffff  }
0xd7: {  	v5 =	vor.u32 $0x1E, v5;
	v58 =	vmul.f32 v58, v37;
	v12 =	vmul.f32 v12, v37;
	v54 =	vld [tilespmem:$0x1FFD0]  }
0xd8: {  	v59 =	vmul.f32 v60, v37;
	v50 =	vadd.f32 v55, v50;
	v60 =	vmul.f32 v61, v37;
	v56 =	vld [tilespmem:$0x1FFE0]  }
0xd9: {  	v49 =	vadd.f32 v58, v49;
	v6 =	vmul.f32 v6, v37;
	v12 =	vadd.f32 v12, v42;
	v42 =	vld.idx.msk [tilespmem:v57+s12+$0x0], $0xffff  }
0xda: {  	v59 =	vadd.f32 v59, v44;
	v8 =	vmul.f32 v8, v37;
	v10 =	vmul.f32 v10, v37;
	v57 =	vld [tilespmem:$0x1FFF0]  }
0xdb: {  	v14 =	vmul.f32 v14, v37;
	v60 =	vadd.f32 v60, v45;
	v19 =	vld.idx.msk [tilespmem:v19+s12+$0x0], $0xffff;
	v9 =	vmul.f32 v9, v3  }
0xdc: {  	v20 =	vld.idx.msk [tilespmem:v20+s12+$0x0], $0xffff;
	v6 =	vadd.f32 v6, v47;
	v8 =	vadd.f32 v8, v41;
	v11 =	vmul.f32 v11, v3  }
0xdd: {  	v43 =	vld.idx.msk [tilespmem:v43+s12+$0x0], $0xffff;
	v10 =	vadd.f32 v10, v48;
	v13 =	vmul.f32 v13, v3;
	v9 =	vadd.f32 v9, v38  }
0xde: {  	v61 =	vld.idx.msk [tilespmem:v53+s12+$0x0], $0xffff;
	v14 =	vadd.f32 v14, v40;
	v15 =	vmul.f32 v15, v3;
	v11 =	vadd.f32 v11, v39  }
0xdf: {  	v5 =	vld.idx.msk [tilespmem:v5+s12+$0x0], $0xffff;
	v48 =	vmul.f32 v16, v3;
	v4 =	vadd.f32 v13, v4;
	[tilespmem:v51+s30+$0x0] =	vst.idx.msk $0xffff, v9  }
0xe0: {  	v53 =	vmul.f32 v17, v3;
	v15 =	vadd.f32 v15, v52;
	[tilespmem:v54+s30+$0x0] =	vst.idx.msk $0xffff, v11  }
0xe1: {  	v55 =	vmul.f32 v18, v3;
	v2 =	vadd.f32 v48, v2;
	[tilespmem:v56+s30+$0x0] =	vst.idx.msk $0xffff, v4  }
0xe2: {  	v9 =	vadd.f32 v53, v50;
	v4 =	vmul.f32 v19, v3;
	[tilespmem:v57+s30+$0x0] =	vst.idx.msk $0xffff, v15  }
0xe3: {  	v58 =	vmul.f32 v20, v3;
	v11 =	vadd.f32 v55, v49;
	[tilespmem:v21+s30+$0x0] =	vst.idx.msk $0xffff, v2  }
0xe4: {  	v2 =	vmul.f32 v43, v3;
	v4 =	vadd.f32 v4, v59;
	[tilespmem:v22+s30+$0x0] =	vst.idx.msk $0xffff, v9  }
0xe5: {  	v13 =	vadd.f32 v58, v60;
	v59 =	vmul.f32 v61, v3;
	[tilespmem:v23+s30+$0x0] =	vst.idx.msk $0xffff, v11  }
0xe6: {  	v60 =	vmul.f32 v62, v3;
	v2 =	vadd.f32 v2, v46;
	[tilespmem:v24+s30+$0x0] =	vst.idx.msk $0xffff, v4  }
0xe7: {  	v6 =	vadd.f32 v59, v6;
	v4 =	vmul.f32 v63, v3;
	[tilespmem:v25+s30+$0x0] =	vst.idx.msk $0xffff, v13  }
0xe8: {  	v8 =	vadd.f32 v60, v8;
	v61 =	vmul.f32 v42, v3;
	[tilespmem:v26+s30+$0x0] =	vst.idx.msk $0xffff, v2  }
0xe9: {  	s9 =	simm.s32 $0x0;
	v2 =	vmul.f32 v5, v3;
	v4 =	vadd.f32 v4, v10;
	[tilespmem:v27+s30+$0x0] =	vst.idx.msk $0xffff, v6  }
0xea: {  	v5 =	vadd.s32 s9, v1;
	v6 =	vadd.f32 v61, v12;
	[tilespmem:v28+s30+$0x0] =	vst.idx.msk $0xffff, v8  }
0xeb: {  	v3 =	vmul.f32 v7, v3;
	v7 =	vshll.u32 v5, $0x6;
	v2 =	vadd.f32 v2, v14;
	[tilespmem:v29+s30+$0x0] =	vst.idx.msk $0xffff, v4  }
0xec: {  	[tilespmem:v30+s30+$0x0] =	vst.idx.msk $0xffff, v6;
	v6 =	vor.u32 $0x20, v7  }
0xed: {  	v3 =	vadd.f32 v3, v36;
	[tilespmem:v31+s30+$0x0] =	vst.idx.msk $0xffff, v2;
	v2 =	vor.u32 $0x21, v7  }
0xee: {  	v4 =	vor.u32 $0x2F, v7  }
0xef: {  	v62 =	vor.u32 $0x23, v7;
	[tilespmem:v32+s30+$0x0] =	vst.idx.msk $0xffff, v3  }
0xf0: {  	v3 =	vor.u32 $0x22, v7;
	v37 =	vld.idx.msk [tilespmem:v5+s28+$0x0], $0xffff  }
0xf1: {  	v44 =	vimm.f32 $0.0e+00;
	v45 =	vimm.f32 $0.0e+00;
	v63 =	vor.u32 $0x25, v7;
	v5 =	vld.idx.msk [tilespmem:v6+s12+$0x0], $0xffff  }
0xf2: {  	v41 =	vimm.f32 $0.0e+00;
	v47 =	vimm.f32 $0.0e+00;
	v6 =	vor.u32 $0x24, v7;
	v2 =	vld.idx.msk [tilespmem:v2+s12+$0x0], $0xffff  }
0xf3: {  	v40 =	vimm.f32 $0.0e+00;
	v48 =	vimm.f32 $0.0e+00;
	v16 =	vor.u32 $0x26, v7;
	v4 =	vld.idx.msk [tilespmem:v4+s12+$0x0], $0xffff  }
0xf4: {  	v52 =	vimm.f32 $0.0e+00;
	v51 =	vimm.f32 $0.0e+00;
	v17 =	vor.u32 $0x27, v7;
	v8 =	vld.idx.msk [tilespmem:v62+s12+$0x0], $0xffff  }
0xf5: {  	v50 =	vimm.f32 $0.0e+00;
	v18 =	vor.u32 $0x28, v7;
	v19 =	vor.u32 $0x29, v7;
	v3 =	vld.idx.msk [tilespmem:v3+s12+$0x0], $0xffff  }
0xf6: {  	v58 =	vor.u32 $0x2A, v7;
	v57 =	vor.u32 $0x2B, v7;
	v55 =	vor.u32 $0x2C, v7;
	v56 =	vld.idx.msk [tilespmem:v63+s12+$0x0], $0xffff  }
0xf7: {  	v54 =	vor.u32 $0x2D, v7;
	v53 =	vor.u32 $0x2E, v7;
	v7 =	vmul.f32 v2, v37;
	v2 =	vld.idx.msk [tilespmem:v6+s12+$0x0], $0xffff  }
0xf8: {  	v49 =	vimm.f32 $0.0e+00;
	v43 =	vimm.f32 $0.0e+00;
	v59 =	vld.idx.msk [tilespmem:v16+s12+$0x0], $0xffff;
	v4 =	vmul.f32 v4, v37  }
0xf9: {  	v42 =	vimm.f32 $0.0e+00;
	v46 =	vimm.f32 $0.0e+00;
	v60 =	vld.idx.msk [tilespmem:v17+s12+$0x0], $0xffff;
	v5 =	vmul.f32 v5, v37  }
0xfa: {  	s31 =	simm.s32 $0x1;
	v61 =	vld.idx.msk [tilespmem:v18+s12+$0x0], $0xffff;
	v62 =	vmul.f32 v8, v37;
	v36 =	vadd.f32 v4, v48;
	v4 =	vmul.f32 v3, v37  }
0xfb: {  	s9 =	simm.s32 $0x2;
	v63 =	vld.idx.msk [tilespmem:v19+s12+$0x0], $0xffff;
	v38 =	vadd.f32 v5, v48;
	v3 =	vadd.s32 s31, v1;
	v39 =	vadd.f32 v7, v48  }
.LBB2_7:
0xfc: {  	p0 =	sne.s32 s9, $0x31;
	v5 =	vshll.u32 v3, $0x6;
	v48 =	vadd.f32 v4, v48;
	v2 =	vmul.f32 v2, v37;
	v4 =	vld.idx.msk [tilespmem:v58+s12+$0x0], $0xffff  }
0xfd: {  	v6 =	vor.u32 $0x20, v5;
	v7 =	vor.u32 $0x21, v5;
	v8 =	vor.u32 $0x2F, v5;
	v9 =	vld.idx.msk [tilespmem:v57+s12+$0x0], $0xffff  }
0xfe: {  	v10 =	vor.u32 $0x22, v5;
	v11 =	vor.u32 $0x23, v5;
	v12 =	vor.u32 $0x24, v5;
	v13 =	vld.idx.msk [tilespmem:v55+s12+$0x0], $0xffff  }
0xff: {  	v14 =	vor.u32 $0x25, v5;
	v15 =	vor.u32 $0x26, v5;
	v16 =	vor.u32 $0x27, v5;
	v17 =	vld.idx.msk [tilespmem:v54+s12+$0x0], $0xffff  }
0x100: {  	v18 =	vor.u32 $0x28, v5;
	v19 =	vor.u32 $0x29, v5;
	v58 =	vor.u32 $0x2A, v5;
	v20 =	vld.idx.msk [tilespmem:v53+s12+$0x0], $0xffff  }
0x101: {  	v57 =	vor.u32 $0x2B, v5;
	v55 =	vor.u32 $0x2C, v5;
	v54 =	vor.u32 $0x2D, v5;
	v3 =	vld.idx.msk [tilespmem:v3+s28+$0x0], $0xffff  }
0x102: {  	v53 =	vor.u32 $0x2E, v5;
	v5 =	vld.idx.msk [tilespmem:v8+s12+$0x0], $0xffff;
	v8 =	vmul.f32 v56, v37;
	v56 =	vmul.f32 v59, v37  }
0x103: {  	v52 =	vadd.f32 v62, v52;
	v59 =	vmul.f32 v60, v37;
	v60 =	vmul.f32 v61, v37;
	v6 =	vld.idx.msk [tilespmem:v6+s12+$0x0], $0xffff  }
0x104: {  	v51 =	vadd.f32 v2, v51;
	v4 =	vmul.f32 v4, v37;
	v61 =	vmul.f32 v63, v37;
	v7 =	vld.idx.msk [tilespmem:v7+s12+$0x0], $0xffff  }
0x105: {  	v50 =	vadd.f32 v8, v50;
	v8 =	vmul.f32 v9, v37;
	v9 =	vmul.f32 v13, v37;
	v10 =	vld.idx.msk [tilespmem:v10+s12+$0x0], $0xffff  }
0x106: {  	v49 =	vadd.f32 v56, v49;
	v13 =	vmul.f32 v17, v37;
	v17 =	vmul.f32 v20, v37;
	v11 =	vld.idx.msk [tilespmem:v11+s12+$0x0], $0xffff  }
0x107: {  	v43 =	vadd.f32 v59, v43;
	v44 =	vadd.f32 v60, v44;
	v37 =	vmov v3;
	v2 =	vld.idx.msk [tilespmem:v12+s12+$0x0], $0xffff  }
.Ltmp2:
0x108: {  	v46 =	vadd.f32 v4, v46;
	v45 =	vadd.f32 v61, v45;
	v3 =	vmul.f32 v5, v37;
	v56 =	vld.idx.msk [tilespmem:v14+s12+$0x0], $0xffff;
	(pc) =	sbr.rel @p0 .LBB2_7-.Ltmp2, $4  }
0x109: {  	v41 =	vadd.f32 v8, v41;
	v47 =	vadd.f32 v9, v47;
	v4 =	vmul.f32 v6, v37;
	v59 =	vld.idx.msk [tilespmem:v15+s12+$0x0], $0xffff  }
0x10a: {  	v42 =	vadd.f32 v13, v42;
	v5 =	vmul.f32 v7, v37;
	v36 =	vadd.f32 v3, v36;
	v60 =	vld.idx.msk [tilespmem:v16+s12+$0x0], $0xffff  }
0x10b: {  	v40 =	vadd.f32 v17, v40;
	v38 =	vadd.f32 v4, v38;
	v4 =	vmul.f32 v10, v37;
	v61 =	vld.idx.msk [tilespmem:v18+s12+$0x0], $0xffff  }
0x10c: {  	v3 =	vadd.s32 s9, v1;
	s9 =	sadd.s32 $0x1, s9;
	v39 =	vadd.f32 v5, v39;
	v62 =	vmul.f32 v11, v37;
	v63 =	vld.idx.msk [tilespmem:v19+s12+$0x0], $0xffff  }
0x10d: {  	_ =	sdelay $0x3  }
0x10e: {  	v5 =	vshll.u32 v3, $0x6;
	v6 =	vld.idx.msk [tilespmem:v58+s12+$0x0], $0xffff  }
0x10f: {  	v8 =	vld.idx.msk [tilespmem:v57+s12+$0x0], $0xffff;
	v7 =	vor.u32 $0x2F, v5  }
0x110: {  	v10 =	vld.idx.msk [tilespmem:v55+s12+$0x0], $0xffff;
	v9 =	vor.u32 $0x20, v5  }
0x111: {  	v12 =	vld.idx.msk [tilespmem:v54+s12+$0x0], $0xffff;
	v11 =	vor.u32 $0x21, v5  }
0x112: {  	v14 =	vld.idx.msk [tilespmem:v53+s12+$0x0], $0xffff;
	v13 =	vor.u32 $0x22, v5  }
0x113: {  	v3 =	vld.idx.msk [tilespmem:v3+s28+$0x0], $0xffff;
	v15 =	vor.u32 $0x23, v5  }
0x114: {  	v16 =	vor.u32 $0x24, v5;
	v7 =	vld.idx.msk [tilespmem:v7+s12+$0x0], $0xffff  }
0x115: {  	v17 =	vor.u32 $0x25, v5;
	v9 =	vld.idx.msk [tilespmem:v9+s12+$0x0], $0xffff  }
0x116: {  	v4 =	vadd.f32 v4, v48;
	v18 =	vor.u32 $0x26, v5;
	v11 =	vld.idx.msk [tilespmem:v11+s12+$0x0], $0xffff  }
0x117: {  	v2 =	vmul.f32 v2, v37;
	v56 =	vmul.f32 v56, v37;
	v19 =	vor.u32 $0x27, v5;
	v13 =	vld.idx.msk [tilespmem:v13+s12+$0x0], $0xffff  }
0x118: {  	v20 =	vor.u32 $0x28, v5;
	v48 =	vor.u32 $0x29, v5;
	v53 =	vor.u32 $0x2A, v5;
	v15 =	vld.idx.msk [tilespmem:v15+s12+$0x0], $0xffff  }
0x119: {  	v54 =	vor.u32 $0x2B, v5;
	v55 =	vor.u32 $0x2C, v5;
	v57 =	vor.u32 $0x2D, v5;
	v16 =	vld.idx.msk [tilespmem:v16+s12+$0x0], $0xffff  }
0x11a: {  	v5 =	vor.u32 $0x2E, v5;
	v58 =	vmul.f32 v59, v37;
	v52 =	vadd.f32 v62, v52;
	v17 =	vld.idx.msk [tilespmem:v17+s12+$0x0], $0xffff  }
0x11b: {  	v59 =	vmul.f32 v60, v37;
	v2 =	vadd.f32 v2, v51;
	v60 =	vmul.f32 v61, v37;
	v18 =	vld.idx.msk [tilespmem:v18+s12+$0x0], $0xffff  }
0x11c: {  	v50 =	vadd.f32 v56, v50;
	v63 =	vmul.f32 v63, v37;
	v6 =	vmul.f32 v6, v37;
	v19 =	vld.idx.msk [tilespmem:v19+s12+$0x0], $0xffff  }
0x11d: {  	v49 =	vadd.f32 v58, v49;
	v8 =	vmul.f32 v8, v37;
	v10 =	vmul.f32 v10, v37;
	v20 =	vld.idx.msk [tilespmem:v20+s12+$0x0], $0xffff  }
0x11e: {  	v12 =	vmul.f32 v12, v37;
	v14 =	vmul.f32 v14, v37;
	v37 =	vadd.f32 v59, v43;
	v58 =	vld.idx.msk [tilespmem:v48+s12+$0x0], $0xffff  }
0x11f: {  	v56 =	vadd.f32 v60, v44;
	v45 =	vadd.f32 v63, v45;
	v59 =	vld.idx.msk [tilespmem:v53+s12+$0x0], $0xffff;
	v63 =	vor.u32 $0x23, v0  }
0x120: {  	v60 =	vld.idx.msk [tilespmem:v54+s12+$0x0], $0xffff;
	v6 =	vadd.f32 v6, v46;
	v8 =	vadd.f32 v8, v41;
	v9 =	vmul.f32 v9, v3  }
0x121: {  	v61 =	vld.idx.msk [tilespmem:v55+s12+$0x0], $0xffff;
	v10 =	vadd.f32 v10, v47;
	v12 =	vadd.f32 v12, v42;
	v11 =	vmul.f32 v11, v3  }
0x122: {  	v62 =	vld.idx.msk [tilespmem:v57+s12+$0x0], $0xffff;
	v14 =	vadd.f32 v14, v40;
	v13 =	vmul.f32 v13, v3;
	v9 =	vadd.f32 v9, v38  }
0x123: {  	v5 =	vld.idx.msk [tilespmem:v5+s12+$0x0], $0xffff;
	v42 =	vor.u32 $0x24, v0;
	v15 =	vmul.f32 v15, v3;
	v11 =	vadd.f32 v11, v39  }
0x124: {  	v47 =	vor.u32 $0x25, v0;
	v16 =	vmul.f32 v16, v3;
	v4 =	vadd.f32 v13, v4;
	[tilespmem:v33+s30+$0x0] =	vst.idx.msk $0xffff, v9  }
0x125: {  	v48 =	vor.u32 $0x26, v0;
	v17 =	vmul.f32 v17, v3;
	v15 =	vadd.f32 v15, v52;
	[tilespmem:v34+s30+$0x0] =	vst.idx.msk $0xffff, v11  }
0x126: {  	v18 =	vmul.f32 v18, v3;
	v2 =	vadd.f32 v16, v2;
	[tilespmem:v35+s30+$0x0] =	vst.idx.msk $0xffff, v4;
	v4 =	vor.u32 $0x27, v0  }
0x127: {  	v19 =	vmul.f32 v19, v3;
	v17 =	vadd.f32 v17, v50;
	v52 =	vor.u32 $0x28, v0;
	[tilespmem:v63+s30+$0x0] =	vst.idx.msk $0xffff, v15  }
0x128: {  	v51 =	vmul.f32 v20, v3;
	v18 =	vadd.f32 v18, v49;
	[tilespmem:v42+s30+$0x0] =	vst.idx.msk $0xffff, v2;
	v2 =	vor.u32 $0x29, v0  }
0x129: {  	v54 =	vor.u32 $0x2A, v0;
	v20 =	vmul.f32 v58, v3;
	v19 =	vadd.f32 v19, v37;
	[tilespmem:v47+s30+$0x0] =	vst.idx.msk $0xffff, v17  }
0x12a: {  	v53 =	vmul.f32 v59, v3;
	v16 =	vadd.f32 v51, v56;
	v56 =	vor.u32 $0x2B, v0;
	[tilespmem:v48+s30+$0x0] =	vst.idx.msk $0xffff, v18  }
0x12b: {  	v55 =	vmul.f32 v60, v3;
	v20 =	vadd.f32 v20, v45;
	[tilespmem:v4+s30+$0x0] =	vst.idx.msk $0xffff, v19;
	v4 =	vor.u32 $0x2C, v0  }
0x12c: {  	v57 =	vmul.f32 v61, v3;
	v59 =	vor.u32 $0x2D, v0;
	v6 =	vadd.f32 v53, v6;
	[tilespmem:v52+s30+$0x0] =	vst.idx.msk $0xffff, v16  }
0x12d: {  	s9 =	simm.s32 $0x0;
	v58 =	vmul.f32 v62, v3;
	v8 =	vadd.f32 v55, v8;
	[tilespmem:v2+s30+$0x0] =	vst.idx.msk $0xffff, v20;
	v2 =	vor.u32 $0x2E, v0  }
0x12e: {  	v5 =	vmul.f32 v5, v3;
	v60 =	vadd.s32 s9, v1;
	v10 =	vadd.f32 v57, v10;
	[tilespmem:v54+s30+$0x0] =	vst.idx.msk $0xffff, v6  }
0x12f: {  	v3 =	vmul.f32 v7, v3;
	v7 =	vadd.f32 v58, v12;
	v6 =	vor.u32 $0x2F, v0;
	[tilespmem:v56+s30+$0x0] =	vst.idx.msk $0xffff, v8  }
0x130: {  	v61 =	vshll.u32 v60, $0x6;
	v5 =	vadd.f32 v5, v14;
	[tilespmem:v4+s30+$0x0] =	vst.idx.msk $0xffff, v10  }
0x131: {  	[tilespmem:v59+s30+$0x0] =	vst.idx.msk $0xffff, v7;
	v7 =	vor.u32 $0x30, v61  }
0x132: {  	v3 =	vadd.f32 v3, v36;
	[tilespmem:v2+s30+$0x0] =	vst.idx.msk $0xffff, v5;
	v2 =	vor.u32 $0x31, v61  }
0x133: {  	v4 =	vor.u32 $0x3F, v61  }
0x134: {  	v5 =	vor.u32 $0x33, v61;
	[tilespmem:v6+s30+$0x0] =	vst.idx.msk $0xffff, v3  }
0x135: {  	v3 =	vor.u32 $0x32, v61;
	v37 =	vld.idx.msk [tilespmem:v60+s28+$0x0], $0xffff  }
0x136: {  	v44 =	vimm.f32 $0.0e+00;
	v43 =	vimm.f32 $0.0e+00;
	v62 =	vor.u32 $0x35, v61;
	v6 =	vld.idx.msk [tilespmem:v7+s12+$0x0], $0xffff  }
0x137: {  	v46 =	vimm.f32 $0.0e+00;
	v41 =	vimm.f32 $0.0e+00;
	v7 =	vor.u32 $0x34, v61;
	v2 =	vld.idx.msk [tilespmem:v2+s12+$0x0], $0xffff  }
0x138: {  	v40 =	vimm.f32 $0.0e+00;
	v58 =	vor.u32 $0x3A, v61;
	v16 =	vor.u32 $0x36, v61;
	v4 =	vld.idx.msk [tilespmem:v4+s12+$0x0], $0xffff  }
0x139: {  	v57 =	vor.u32 $0x3B, v61;
	v55 =	vor.u32 $0x3C, v61;
	v17 =	vor.u32 $0x37, v61;
	v5 =	vld.idx.msk [tilespmem:v5+s12+$0x0], $0xffff  }
0x13a: {  	v53 =	vor.u32 $0x3E, v61;
	v51 =	vimm.f32 $0.0e+00;
	v18 =	vor.u32 $0x38, v61;
	v3 =	vld.idx.msk [tilespmem:v3+s12+$0x0], $0xffff  }
0x13b: {  	v50 =	vimm.f32 $0.0e+00;
	v49 =	vimm.f32 $0.0e+00;
	v19 =	vor.u32 $0x39, v61;
	v56 =	vld.idx.msk [tilespmem:v62+s12+$0x0], $0xffff  }
0x13c: {  	v45 =	vimm.f32 $0.0e+00;
	v42 =	vimm.f32 $0.0e+00;
	v63 =	vmul.f32 v2, v37;
	v2 =	vld.idx.msk [tilespmem:v7+s12+$0x0], $0xffff  }
0x13d: {  	v47 =	vimm.f32 $0.0e+00;
	v48 =	vimm.f32 $0.0e+00;
	v59 =	vld.idx.msk [tilespmem:v16+s12+$0x0], $0xffff;
	v4 =	vmul.f32 v4, v37  }
0x13e: {  	v52 =	vimm.f32 $0.0e+00;
	v54 =	vor.u32 $0x3D, v61;
	v60 =	vld.idx.msk [tilespmem:v17+s12+$0x0], $0xffff;
	v6 =	vmul.f32 v6, v37  }
0x13f: {  	s31 =	simm.s32 $0x1;
	v61 =	vld.idx.msk [tilespmem:v18+s12+$0x0], $0xffff;
	v36 =	vadd.f32 v4, v48;
	v62 =	vmul.f32 v5, v37;
	v4 =	vmul.f32 v3, v37  }
0x140: {  	s9 =	simm.s32 $0x2;
	v39 =	vadd.f32 v6, v48;
	v3 =	vadd.s32 s31, v1;
	v38 =	vadd.f32 v63, v48;
	v63 =	vld.idx.msk [tilespmem:v19+s12+$0x0], $0xffff  }
.LBB2_9:
0x141: {  	p0 =	sne.s32 s9, $0x31;
	v5 =	vshll.u32 v3, $0x6;
	v48 =	vadd.f32 v4, v48;
	v2 =	vmul.f32 v2, v37;
	v4 =	vld.idx.msk [tilespmem:v58+s12+$0x0], $0xffff  }
0x142: {  	v6 =	vor.u32 $0x30, v5;
	v7 =	vor.u32 $0x31, v5;
	v8 =	vor.u32 $0x3F, v5;
	v9 =	vld.idx.msk [tilespmem:v57+s12+$0x0], $0xffff  }
0x143: {  	v10 =	vor.u32 $0x32, v5;
	v11 =	vor.u32 $0x33, v5;
	v12 =	vor.u32 $0x34, v5;
	v13 =	vld.idx.msk [tilespmem:v55+s12+$0x0], $0xffff  }
0x144: {  	v14 =	vor.u32 $0x35, v5;
	v15 =	vor.u32 $0x36, v5;
	v16 =	vor.u32 $0x37, v5;
	v17 =	vld.idx.msk [tilespmem:v54+s12+$0x0], $0xffff  }
0x145: {  	v18 =	vor.u32 $0x38, v5;
	v19 =	vor.u32 $0x39, v5;
	v58 =	vor.u32 $0x3A, v5;
	v20 =	vld.idx.msk [tilespmem:v53+s12+$0x0], $0xffff  }
0x146: {  	v57 =	vor.u32 $0x3B, v5;
	v55 =	vor.u32 $0x3C, v5;
	v54 =	vor.u32 $0x3D, v5;
	v3 =	vld.idx.msk [tilespmem:v3+s28+$0x0], $0xffff  }
0x147: {  	v53 =	vor.u32 $0x3E, v5;
	v5 =	vld.idx.msk [tilespmem:v8+s12+$0x0], $0xffff;
	v8 =	vmul.f32 v56, v37;
	v56 =	vmul.f32 v59, v37  }
0x148: {  	v52 =	vadd.f32 v62, v52;
	v59 =	vmul.f32 v60, v37;
	v60 =	vmul.f32 v61, v37;
	v6 =	vld.idx.msk [tilespmem:v6+s12+$0x0], $0xffff  }
0x149: {  	v51 =	vadd.f32 v2, v51;
	v4 =	vmul.f32 v4, v37;
	v61 =	vmul.f32 v63, v37;
	v7 =	vld.idx.msk [tilespmem:v7+s12+$0x0], $0xffff  }
0x14a: {  	v50 =	vadd.f32 v8, v50;
	v8 =	vmul.f32 v9, v37;
	v9 =	vmul.f32 v13, v37;
	v10 =	vld.idx.msk [tilespmem:v10+s12+$0x0], $0xffff  }
0x14b: {  	v49 =	vadd.f32 v56, v49;
	v13 =	vmul.f32 v17, v37;
	v17 =	vmul.f32 v20, v37;
	v11 =	vld.idx.msk [tilespmem:v11+s12+$0x0], $0xffff  }
0x14c: {  	v46 =	vadd.f32 v59, v46;
	v47 =	vadd.f32 v60, v47;
	v37 =	vmov v3;
	v2 =	vld.idx.msk [tilespmem:v12+s12+$0x0], $0xffff  }
.Ltmp3:
0x14d: {  	v45 =	vadd.f32 v4, v45;
	v44 =	vadd.f32 v61, v44;
	v3 =	vmul.f32 v5, v37;
	v56 =	vld.idx.msk [tilespmem:v14+s12+$0x0], $0xffff;
	(pc) =	sbr.rel @p0 .LBB2_9-.Ltmp3, $4  }
0x14e: {  	v42 =	vadd.f32 v8, v42;
	v43 =	vadd.f32 v9, v43;
	v4 =	vmul.f32 v6, v37;
	v59 =	vld.idx.msk [tilespmem:v15+s12+$0x0], $0xffff  }
0x14f: {  	v41 =	vadd.f32 v13, v41;
	v5 =	vmul.f32 v7, v37;
	v36 =	vadd.f32 v3, v36;
	v60 =	vld.idx.msk [tilespmem:v16+s12+$0x0], $0xffff  }
0x150: {  	v40 =	vadd.f32 v17, v40;
	v39 =	vadd.f32 v4, v39;
	v4 =	vmul.f32 v10, v37;
	v61 =	vld.idx.msk [tilespmem:v18+s12+$0x0], $0xffff  }
0x151: {  	v3 =	vadd.s32 s9, v1;
	s9 =	sadd.s32 $0x1, s9;
	v38 =	vadd.f32 v5, v38;
	v62 =	vmul.f32 v11, v37;
	v63 =	vld.idx.msk [tilespmem:v19+s12+$0x0], $0xffff  }
0x152: {  	_ =	sdelay $0x3  }
0x153: {  	v5 =	vshll.u32 v3, $0x6;
	v6 =	vld.idx.msk [tilespmem:v58+s12+$0x0], $0xffff  }
0x154: {  	v8 =	vld.idx.msk [tilespmem:v57+s12+$0x0], $0xffff;
	v7 =	vor.u32 $0x3F, v5  }
0x155: {  	v10 =	vld.idx.msk [tilespmem:v55+s12+$0x0], $0xffff;
	v9 =	vor.u32 $0x30, v5  }
0x156: {  	v12 =	vld.idx.msk [tilespmem:v54+s12+$0x0], $0xffff;
	v11 =	vor.u32 $0x31, v5  }
0x157: {  	v14 =	vld.idx.msk [tilespmem:v53+s12+$0x0], $0xffff;
	v13 =	vor.u32 $0x32, v5  }
0x158: {  	v3 =	vld.idx.msk [tilespmem:v3+s28+$0x0], $0xffff;
	v4 =	vadd.f32 v4, v48;
	v2 =	vmul.f32 v2, v37;
	v15 =	vor.u32 $0x33, v5  }
0x159: {  	v56 =	vmul.f32 v56, v37;
	v16 =	vor.u32 $0x34, v5;
	v17 =	vor.u32 $0x35, v5;
	v7 =	vld.idx.msk [tilespmem:v7+s12+$0x0], $0xffff  }
0x15a: {  	v18 =	vor.u32 $0x36, v5;
	v19 =	vor.u32 $0x37, v5;
	v20 =	vor.u32 $0x38, v5;
	v9 =	vld.idx.msk [tilespmem:v9+s12+$0x0], $0xffff  }
0x15b: {  	v48 =	vor.u32 $0x39, v5;
	v53 =	vor.u32 $0x3A, v5;
	v54 =	vor.u32 $0x3B, v5;
	v11 =	vld.idx.msk [tilespmem:v11+s12+$0x0], $0xffff  }
0x15c: {  	v55 =	vor.u32 $0x3C, v5;
	v57 =	vor.u32 $0x3D, v5;
	v5 =	vor.u32 $0x3E, v5;
	v13 =	vld.idx.msk [tilespmem:v13+s12+$0x0], $0xffff  }
0x15d: {  	v58 =	vmul.f32 v59, v37;
	v52 =	vadd.f32 v62, v52;
	v59 =	vmul.f32 v60, v37;
	v15 =	vld.idx.msk [tilespmem:v15+s12+$0x0], $0xffff  }
0x15e: {  	v2 =	vadd.f32 v2, v51;
	v50 =	vadd.f32 v56, v50;
	v56 =	vor.u32 $0x32, v0;
	v16 =	vld.idx.msk [tilespmem:v16+s12+$0x0], $0xffff  }
0x15f: {  	v60 =	vmul.f32 v61, v37;
	v49 =	vadd.f32 v58, v49;
	v58 =	vor.u32 $0x34, v0;
	v17 =	vld.idx.msk [tilespmem:v17+s12+$0x0], $0xffff  }
0x160: {  	v62 =	vmul.f32 v63, v37;
	v46 =	vadd.f32 v59, v46;
	v6 =	vmul.f32 v6, v37;
	v18 =	vld.idx.msk [tilespmem:v18+s12+$0x0], $0xffff  }
0x161: {  	v63 =	vor.u32 $0x30, v0;
	v8 =	vmul.f32 v8, v37;
	v10 =	vmul.f32 v10, v37;
	v19 =	vld.idx.msk [tilespmem:v19+s12+$0x0], $0xffff  }
0x162: {  	v12 =	vmul.f32 v12, v37;
	v47 =	vadd.f32 v60, v47;
	v14 =	vmul.f32 v14, v37;
	v20 =	vld.idx.msk [tilespmem:v20+s12+$0x0], $0xffff  }
0x163: {  	v60 =	vor.u32 $0x35, v0;
	v37 =	vadd.f32 v62, v44;
	v44 =	vld.idx.msk [tilespmem:v48+s12+$0x0], $0xffff;
	v6 =	vadd.f32 v6, v45  }
0x164: {  	v10 =	vadd.f32 v10, v43;
	v43 =	vld.idx.msk [tilespmem:v54+s12+$0x0], $0xffff;
	v54 =	vor.u32 $0x31, v0;
	v9 =	vmul.f32 v9, v3  }
0x165: {  	v5 =	vld.idx.msk [tilespmem:v5+s12+$0x0], $0xffff;
	v8 =	vadd.f32 v8, v42;
	v14 =	vadd.f32 v14, v40;
	v11 =	vmul.f32 v11, v3  }
0x166: {  	v40 =	vld.idx.msk [tilespmem:v57+s12+$0x0], $0xffff;
	v57 =	vor.u32 $0x33, v0;
	v13 =	vmul.f32 v13, v3;
	v9 =	vadd.f32 v9, v39  }
0x167: {  	v42 =	vld.idx.msk [tilespmem:v53+s12+$0x0], $0xffff;
	v12 =	vadd.f32 v12, v41;
	v15 =	vmul.f32 v15, v3;
	v11 =	vadd.f32 v11, v38  }
0x168: {  	v59 =	vmul.f32 v16, v3;
	v39 =	vld.idx.msk [tilespmem:v55+s12+$0x0], $0xffff;
	v4 =	vadd.f32 v13, v4;
	[tilespmem:v63+s30+$0x0] =	vst.idx.msk $0xffff, v9  }
0x169: {  	v62 =	vor.u32 $0x36, v0;
	v61 =	vmul.f32 v17, v3;
	v15 =	vadd.f32 v15, v52;
	[tilespmem:v54+s30+$0x0] =	vst.idx.msk $0xffff, v11  }
0x16a: {  	v45 =	vor.u32 $0x37, v0;
	v2 =	vadd.f32 v59, v2;
	v63 =	vmul.f32 v18, v3;
	[tilespmem:v56+s30+$0x0] =	vst.idx.msk $0xffff, v4  }
0x16b: {  	v51 =	vor.u32 $0x38, v0;
	v48 =	vmul.f32 v19, v3;
	v16 =	vadd.f32 v61, v50;
	[tilespmem:v57+s30+$0x0] =	vst.idx.msk $0xffff, v15  }
0x16c: {  	v52 =	vmul.f32 v20, v3;
	v17 =	vadd.f32 v63, v49;
	[tilespmem:v58+s30+$0x0] =	vst.idx.msk $0xffff, v2;
	v2 =	vor.u32 $0x39, v0  }
0x16d: {  	v53 =	vmul.f32 v44, v3;
	v13 =	vadd.f32 v48, v46;
	v54 =	vor.u32 $0x3A, v0;
	[tilespmem:v60+s30+$0x0] =	vst.idx.msk $0xffff, v16  }
0x16e: {  	v55 =	vmul.f32 v42, v3;
	v18 =	vadd.f32 v52, v47;
	v56 =	vor.u32 $0x3B, v0;
	[tilespmem:v62+s30+$0x0] =	vst.idx.msk $0xffff, v17  }
0x16f: {  	v19 =	vadd.f32 v53, v37;
	v57 =	vmul.f32 v43, v3;
	v58 =	vor.u32 $0x3C, v0;
	[tilespmem:v45+s30+$0x0] =	vst.idx.msk $0xffff, v13  }
0x170: {  	v6 =	vadd.f32 v55, v6;
	v59 =	vmul.f32 v39, v3;
	v60 =	vor.u32 $0x3D, v0;
	[tilespmem:v51+s30+$0x0] =	vst.idx.msk $0xffff, v18  }
0x171: {  	v61 =	vmul.f32 v40, v3;
	v8 =	vadd.f32 v57, v8;
	[tilespmem:v2+s30+$0x0] =	vst.idx.msk $0xffff, v19;
	v2 =	vor.u32 $0x3E, v0  }
0x172: {  	v5 =	vmul.f32 v5, v3;
	v10 =	vadd.f32 v59, v10;
	v62 =	vor.u32 $0x3F, v0;
	[tilespmem:v54+s30+$0x0] =	vst.idx.msk $0xffff, v6  }
0x173: {  	v63 =	vadd.f32 v61, v12;
	v3 =	vmul.f32 v7, v3;
	[tilespmem:v56+s30+$0x0] =	vst.idx.msk $0xffff, v8  }
0x174: {  	v5 =	vadd.f32 v5, v14;
	[tilespmem:v58+s30+$0x0] =	vst.idx.msk $0xffff, v10  }
0x175: {  	s0 =	sadd.s32 $0x1, s0;
	v3 =	vadd.f32 v3, v36;
	[tilespmem:v60+s30+$0x0] =	vst.idx.msk $0xffff, v63  }
0x176: {  	s3 =	sshll.u32 s3, $0x3;
	p0 =	sne.s32 s0, $0x8;
	[tilespmem:v2+s30+$0x0] =	vst.idx.msk $0xffff, v5  }
.Ltmp4:
0x177: {  	s3 =	sadd.s32 s1, s3;
	[tilespmem:v62+s30+$0x0] =	vst.idx.msk $0xffff, v3;
	(pc) =	sbr.rel @p0 .LBB2_2-.Ltmp4, $4  }
0x178: {  	[hbm4b:s3+s2] =	stream.linear.scatter [tilespmem:s30], [sflag:$0x2], $0x400, $0x38;
	[tilespmem:$0xD260] =	vst v63  }
0x179: {  	_ =	swait.ge [sflag:s10], $0x400  }
0x17a: {  	[sflag:s10] =	ssyncset.done $0x0  }
0x17b: {  	[sflag:s10] =	ssyncadd.s32 $0xFFFFFC00  }
0x17c: {  	s3 =	rddreg [dreg:$0x4]  }
0x17d: {  	s0 =	rddreg [dreg:$0x3];
	s3 =	sadd.s32 $0x1, s3  }
0x17e: {  	p0 =	sne.s32 s3, s0  }
.Ltmp5:
0x17f: {  	_ = 	snop;
	(pc) =	sbr.rel @p0 .LBB2_1-.Ltmp5, $1  }
0x180: {  	_ =	sdelay $0x3  }
0x181: {  	_ =	sfence.sel $0x180000  }
0x182: {  	[bflag:$0x0] =	sbarrier.arrive $0xFFFF  }
0x183: {  	_ =	strace $0x90000047  }
0x184: {  	s0 =	stileid.u32;
	[bflag:$0x2] =	sbarrier.arrive $0xFFFF  }
0x185: {  	p0 =	sne.s32 s0, $0x0;
	s0 =	rddreg [dreg:$0x2]  }
0x186: {  	s0 =	sadd.s32 @!p0 $0x100000, s0  }
0x187: {  	[sflag:s0] =	ssyncadd.tile.s32 @!p0 $0x1;
	_ =	shalt  }
.Lfunc_end2:
_tile_overlayer_lowered:
.L_overlay_start_2:
0x188: {  	(tag) =	ssettag $0x2  }
0x189: {  	s0 =	rddreg [dreg:$0x0];
	s2 =	stileid.u32  }
0x18a: {  	s1 =	rddreg [dreg:$0x1];
	p0 =	sne.s32 s2, $0x0  }
0x18b: {  	s3 =	rddreg [dreg:$0x2];
	[bflag:$0x3] =	sbarrier.arrive $0xFFFF;
	s2 =	simm.s32 @!p0 $0x1C02  }
0x18c: {  	[timem:s3], [sflag:s2] =	dma.local @!p0 [hbm:s0], s1  }
0x18d: {  	s0 =	simm.s32 @!p0 $0x2  }
0x18e: {  	_ =	swait.ge @!p0 [sflag:s0], s1  }
0x18f: {  	s1 =	ssub.s32 @!p0 $0x0, s1;
	[sflag:s0] =	ssyncset.done @!p0 $0x0  }
0x190: {  	[sflag:s0] =	ssyncadd.s32 @!p0 s1  }
0x191: {  	[bflag:$0x3] =	sbarrier.arrive $0xFFFF  }
0x192: {  	_ =	shalt  }

</sc_bundles>
